<compile_context>
chip_gen: v7x
topology: tpu7x:2x2x1
jax: 0.10.2.dev20260603
libtpu: 0.0.44.dev20260713+nightly
codegen_flags: <defaults>
</compile_context>

<pallas_src>
import functools

import jax
import jax.numpy as jnp
from jax import lax
from jax.experimental import pallas as pl
from jax.experimental.pallas import tpu as pltpu
from jax.experimental.pallas import tpu_sc as plsc

N = 10000
D_IN = 128
D_HID = 64
E = 320000

NC = 2
NS = 16
K = 125
CHUNKS = 80
NPAD = 10240
STRIPE = NPAD // NS
HALF = STRIPE // 2
ZB = 80
CW = 16
NBUF = 4
ROUNDS = CHUNKS // NBUF
L = 16


def _newton_rsqrt(deg):
    bits = lax.bitcast_convert_type(deg, jnp.int32)
    seed = jnp.full((L,), 0x5F3759DF, jnp.int32) - (bits >> 1)
    y = lax.bitcast_convert_type(seed, jnp.float32)
    for _ in range(3):
        y = y * (1.5 - 0.5 * deg * y * y)
    return y


def _sc_count_body(dst_hbm, out_hbm, dst_v, ones_v, acc_sh, sem):
    c = lax.axis_index("c")
    s = lax.axis_index("s")
    base = s * STRIPE

    def _zero_row(i, carry):
        ones_v[i, :] = jnp.zeros((CW,), jnp.float32)
        return carry

    lax.fori_loop(0, K, _zero_row, 0)

    def _zero_stripe(i, carry):
        pltpu.sync_copy(ones_v.at[pl.ds(0, ZB)], acc_sh.at[pl.ds(base + i * ZB, ZB)])
        return carry

    lax.fori_loop(0, STRIPE // ZB, _zero_stripe, 0)

    def _fill_row(i, carry):
        ones_v[i, :] = jnp.ones((CW,), jnp.float32)
        return carry

    lax.fori_loop(0, K, _fill_row, 0)

    pltpu.sync_copy(dst_hbm.at[c, s], dst_v)
    plsc.subcore_barrier()

    def _scatter(j, carry):
        pltpu.async_copy(ones_v, acc_sh.at[dst_v.at[j]], sem, add=True)
        return carry

    lax.fori_loop(0, CHUNKS, _scatter, 0)

    def _drain(j, carry):
        pltpu.make_async_copy(ones_v, acc_sh.at[dst_v.at[0]], sem).wait()
        return carry

    lax.fori_loop(0, CHUNKS, _drain, 0)
    plsc.subcore_barrier()

    pltpu.sync_copy(acc_sh.at[pl.ds(base, STRIPE)], out_hbm.at[c, pl.ds(base, STRIPE)])


def _sc_aggregate_body(
    src_hbm, dst_hbm, h_hbm, cnt_hbm, agg_out, g_out,
    src_v, dst_v, cnt_t, hv, *rest,
):
    rows = rest[:NBUF]
    acc_sh = rest[NBUF]
    sem_g = rest[NBUF + 1 : 2 * NBUF + 1]
    sem_ld = rest[2 * NBUF + 1 :]
    c = lax.axis_index("c")
    s = lax.axis_index("s")
    base = s * STRIPE

    def _zero_rows0(i, carry):
        for kk in range(D_HID // L):
            rows[0][i, pl.ds(kk * L, L)] = jnp.zeros((L,), jnp.float32)
        return carry

    lax.fori_loop(0, K, _zero_rows0, 0)

    @pl.when(c == 1)
    def _():
        def _zero_acc(i, carry):
            pltpu.sync_copy(
                rows[0].at[pl.ds(0, ZB)], acc_sh.at[pl.ds(base + i * ZB, ZB)]
            )
            return carry

        lax.fori_loop(0, STRIPE // ZB, _zero_acc, 0)

    def _fire_loads(hbase):
        pltpu.async_copy(h_hbm.at[pl.ds(hbase, HALF)], hv, sem_ld[0])
        pltpu.async_copy(cnt_hbm.at[0, pl.ds(hbase, HALF)], cnt_t.at[0], sem_ld[1])
        pltpu.async_copy(cnt_hbm.at[1, pl.ds(hbase, HALF)], cnt_t.at[1], sem_ld[2])

    def _wait_loads(hbase):
        pltpu.make_async_copy(h_hbm.at[pl.ds(hbase, HALF)], hv, sem_ld[0]).wait()
        pltpu.make_async_copy(
            cnt_hbm.at[0, pl.ds(hbase, HALF)], cnt_t.at[0], sem_ld[1]
        ).wait()
        pltpu.make_async_copy(
            cnt_hbm.at[1, pl.ds(hbase, HALF)], cnt_t.at[1], sem_ld[2]
        ).wait()

    _fire_loads(base)
    pltpu.sync_copy(src_hbm.at[c, s], src_v)
    pltpu.sync_copy(dst_hbm.at[c, s], dst_v)

    for hh in range(2):
        hbase = base + hh * HALF
        _wait_loads(hbase)

        def _row2(i, carry):
            for u in range(2):
                row = 2 * i + u
                cv = cnt_t[0, row, :] + cnt_t[1, row, :]
                y = _newton_rsqrt(cv + 1.0)
                for kk in range(D_HID // L):
                    sl = pl.ds(kk * L, L)
                    hv[row, sl] = hv[row, sl] * y
            return carry

        lax.fori_loop(0, HALF // 2, _row2, 0)

        pltpu.sync_copy(hv, g_out.at[pl.ds(hbase, HALF)])

        @pl.when(c == 0)
        def _():
            pltpu.sync_copy(hv, acc_sh.at[pl.ds(hbase, HALF)])

        if hh == 0:
            _fire_loads(base + HALF)

    plsc.subcore_barrier()

    for b in range(NBUF):
        pltpu.async_copy(g_out.at[src_v.at[b]], rows[b], sem_g[b])

    def _round(r, carry):
        j0 = r * NBUF
        for b in range(NBUF):
            pltpu.make_async_copy(g_out.at[src_v.at[j0 + b]], rows[b], sem_g[b]).wait()
            pltpu.sync_copy(rows[b], acc_sh.at[dst_v.at[j0 + b]], add=True)

            @pl.when(r < ROUNDS - 1)
            def _():
                pltpu.async_copy(g_out.at[src_v.at[j0 + NBUF + b]], rows[b], sem_g[b])

        return carry

    lax.fori_loop(0, ROUNDS, _round, 0)
    plsc.subcore_barrier()

    pltpu.sync_copy(acc_sh.at[pl.ds(base, STRIPE)], agg_out.at[c, pl.ds(base, STRIPE)])


@functools.lru_cache(maxsize=None)
def _sc_kernels():
    mesh = plsc.VectorSubcoreMesh(
        core_axis_name="c", subcore_axis_name="s", num_cores=NC, num_subcores=NS
    )
    count = pl.kernel(
        _sc_count_body,
        out_type=jax.ShapeDtypeStruct((NC, NPAD, CW), jnp.float32),
        mesh=mesh,
        scratch_types=[
            pltpu.VMEM((CHUNKS, K), jnp.int32),
            pltpu.VMEM((K, CW), jnp.float32),
            pltpu.VMEM_SHARED((NPAD, CW), jnp.float32),
            pltpu.SemaphoreType.DMA,
        ],
        name="sc_degree_histogram",
    )
    aggregate = pl.kernel(
        _sc_aggregate_body,
        out_type=(
            jax.ShapeDtypeStruct((NC, NPAD, D_HID), jnp.float32),
            jax.ShapeDtypeStruct((NPAD, D_HID), jnp.float32),
        ),
        mesh=mesh,
        scratch_types=[
            pltpu.VMEM((CHUNKS, K), jnp.int32),
            pltpu.VMEM((CHUNKS, K), jnp.int32),
            pltpu.VMEM((NC, HALF, CW), jnp.float32),
            pltpu.VMEM((HALF, D_HID), jnp.float32),
        ]
        + [pltpu.VMEM((K, D_HID), jnp.float32) for _ in range(NBUF)]
        + [pltpu.VMEM_SHARED((NPAD, D_HID), jnp.float32)]
        + [pltpu.SemaphoreType.DMA for _ in range(NBUF + 3)],
        name="sc_scale_aggregate",
        compiler_params=pltpu.CompilerParams(use_tc_tiling_on_sc=False),
    )
    return count, aggregate


def _h_body(x_ref, w_ref, h_ref):
    h = jnp.dot(x_ref[...], w_ref[...], preferred_element_type=jnp.float32)
    h_ref[0:N, :] = h
    h_ref[N:NPAD, :] = jnp.zeros((NPAD - N, D_HID), jnp.float32)


_h_call = pl.pallas_call(
    _h_body,
    out_shape=jax.ShapeDtypeStruct((NPAD, D_HID), jnp.float32),
)


def _dec_body(a0_ref, a1_ref, c0_ref, c1_ref, be_ref, wd_ref, bd_ref, z_ref, xr_ref):
    deg = c0_ref[:, 0:1] + c1_ref[:, 0:1] + 1.0
    dis = lax.rsqrt(deg)
    pre = (a0_ref[...] + a1_ref[...]) * dis + be_ref[...]
    z = jnp.maximum(pre, 0.0)
    z_ref[...] = z
    xr_ref[...] = (
        jnp.dot(z, wd_ref[...], preferred_element_type=jnp.float32) + bd_ref[...]
    )


_dec_call = pl.pallas_call(
    _dec_body,
    out_shape=(
        jax.ShapeDtypeStruct((N, D_HID), jnp.float32),
        jax.ShapeDtypeStruct((N, D_IN), jnp.float32),
    ),
)


def kernel(x, edge_index, W_enc, b_enc, W_dec, b_dec):
    src_p = edge_index[0].astype(jnp.int32).reshape(NC, NS, CHUNKS, K)
    dst_p = edge_index[1].astype(jnp.int32).reshape(NC, NS, CHUNKS, K)

    sc_count, sc_aggregate = _sc_kernels()
    h = _h_call(x, W_enc)
    counts = sc_count(dst_p)
    agg, _ = sc_aggregate(src_p, dst_p, h, counts)
    z, xr = _dec_call(
        agg[0, :N],
        agg[1, :N],
        counts[0, :N],
        counts[1, :N],
        b_enc.reshape(1, D_HID),
        W_dec,
        b_dec.reshape(1, D_IN),
    )
    return (z, xr)

# --- scband reference (transcript-rebuilt; emitter-appended) ---
"""Pipeline reference for scband-anomaly-gnn-12893491822678 (READ-ONLY COPY).

The authoritative reference and input builder live on the scoring server;
editing this copy changes nothing except your own understanding.
"""

import jax, jax.numpy as jnp
import numpy as np

N_NODES = 10000
IN_DIM = 128
HID_DIM = 64
N_EDGES = 320000


def setup_inputs(seed: int = 0) -> dict:
    key = jax.random.key(seed)
    k1, k2, k3, k4, k5, k6 = jax.random.split(key, 6)
    x = jax.random.normal(k1, (N_NODES, IN_DIM), dtype=jnp.float32)
    edge_index = jax.random.randint(k2, (2, N_EDGES), 0, N_NODES, dtype=jnp.int64)
    # GCNConv (encoder) params: weight [in, hid], bias [hid]
    W_enc = jax.random.normal(k3, (IN_DIM, HID_DIM), dtype=jnp.float32) * (1.0 / np.sqrt(IN_DIM))
    b_enc = jnp.zeros((HID_DIM,), dtype=jnp.float32)
    # Linear decoder params: weight [hid, in], bias [in]
    W_dec = jax.random.normal(k4, (HID_DIM, IN_DIM), dtype=jnp.float32) * (1.0 / np.sqrt(HID_DIM))
    b_dec = jax.random.normal(k5, (IN_DIM,), dtype=jnp.float32) * 0.01
    return {"x": x, "edge_index": edge_index, "W_enc": W_enc, "b_enc": b_enc, "W_dec": W_dec, "b_dec": b_dec}


def _gcn_conv(x, edge_index, W, b):
    # PyG GCNConv: add self-loops, symmetric normalization D^{-1/2}(A+I)D^{-1/2} X W + b
    N = x.shape[0]
    loop = jnp.arange(N, dtype=edge_index.dtype)
    src = jnp.concatenate([edge_index[0], loop])
    dst = jnp.concatenate([edge_index[1], loop])
    ones = jnp.ones(src.shape[0], dtype=x.dtype)
    deg = jax.ops.segment_sum(ones, dst, num_segments=N)
    deg_inv_sqrt = jnp.where(deg > 0, jax.lax.rsqrt(jnp.maximum(deg, 1e-12)), 0.0)
    norm = deg_inv_sqrt[src] * deg_inv_sqrt[dst]
    h = x @ W  # linear transform first (standard GCNConv order)
    msg = h[src] * norm[:, None]  # gather + scale
    out = jax.ops.segment_sum(msg, dst, num_segments=N)  # scatter-add
    return out + b


def reference(x, edge_index, W_enc, b_enc, W_dec, b_dec):
    z = jax.nn.relu(_gcn_conv(x, edge_index, W_enc, b_enc))
    x_recon = z @ W_dec + b_dec
    return (z, x_recon)

if __name__ == "__main__":
    import jax
    _d = setup_inputs()
    print(jax.jit(kernel)(*tuple(_d.values())))

</pallas_src>

<mosaic_0001>
#map = affine_map<(d0, d1) -> (0, 0, 0, 0)>
#map1 = affine_map<(d0, d1) -> (0, 0, 0)>
module attributes {stable_mosaic.version = 14 : i64} {
  func.func @sc_degree_histogram(%arg0: i32, %arg1: i32, %arg2: memref<2x16x80x125xi32, #tpu.memory_space<hbm>>, %arg3: memref<2x10240x16xf32, #tpu.memory_space<hbm>>, %arg4: memref<80x125xi32, #tpu.memory_space<vmem>>, %arg5: memref<125x16xf32, #tpu.memory_space<vmem>>, %arg6: memref<10240x16xf32, #tpu.memory_space<vmem_shared>>, %arg7: memref<!tpu.dma_semaphore, #tpu.memory_space<semaphore_mem>>) attributes {dimension_semantics = [#tpu.dimension_semantics<core_parallel>, #tpu.dimension_semantics<subcore_parallel>], iteration_bounds = array<i64: 2, 16>, scalar_prefetch = 0 : i64, scratch_operands = 4 : i64, tpu.core_type = #tpu.core_type<sc_vector_subcore>, window_params = [{transform_indices = #map}, {transform_indices = #map1}]} {
    %mul3A = arith.constant 640 : i32
    %mul3A_0 = arith.muli %arg1, %mul3A : i32
    %scan3A = arith.constant 0 : i32
    %scan3A_1 = arith.constant 0 : i32
    %scan3A_2 = arith.constant 125 : i32
    %scan3A_3 = arith.addi %scan3A_1, %scan3A_2 : i32
    %scan3A_4 = arith.constant 1 : i32
    scf.for %scan3A_31 = %scan3A_1 to %scan3A_3 step %scan3A_4  : i32 {
      %broadcast_in_dim3A = arith.constant 0.000000e+00 : f32
      %broadcast_in_dim3A_32 = vector.broadcast %broadcast_in_dim3A : f32 to vector<16xf32>
      %swap3A = arith.index_cast %scan3A_31 : i32 to index
      %swap3A_33 = arith.constant 0 : index
      %swap3A_34 = tpu.vector_load %arg5[%swap3A, %swap3A_33] {strides = array<i32>} : memref<125x16xf32, #tpu.memory_space<vmem>>, vector<1x16xf32>,
      %swap3A_35 = vector.shape_cast %swap3A_34 : vector<1x16xf32> to vector<16xf32>
      %swap3A_36 = vector.shape_cast %broadcast_in_dim3A_32 : vector<16xf32> to vector<1x16xf32>
      tpu.vector_store %arg5[%swap3A, %swap3A_33], %swap3A_36 {strides = array<i32>} : memref<125x16xf32, #tpu.memory_space<vmem>>, vector<1x16xf32>,
    }
    %scan3A_5 = arith.constant 125 : i32
    %scan3A_6 = arith.constant 0 : i32
    %scan3A_7 = arith.constant 0 : i32
    %scan3A_8 = arith.constant 8 : i32
    %scan3A_9 = arith.addi %scan3A_7, %scan3A_8 : i32
    %scan3A_10 = arith.constant 1 : i32
    scf.for %scan3A_31 = %scan3A_7 to %scan3A_9 step %scan3A_10  : i32 {
      %mul3A_32 = arith.constant 80 : i32
      %mul3A_33 = arith.muli %scan3A_31, %mul3A_32 : i32
      %add3A = arith.addi %mul3A_0, %mul3A_33 : i32
      "tpu.region"() ({
        %run_scoped3A = tpu.sem_alloc : memref<!tpu.dma_semaphore, #tpu.memory_space<semaphore_mem>>
        %dma_start3A = arith.constant 0 : i32
        %dma_start3A_34 = arith.constant 0 : i32
        %dma_start3A_35 = tpu.memref_slice %arg5[%dma_start3A, %dma_start3A_34] : memref<125x16xf32, #tpu.memory_space<vmem>> -> memref<80x16xf32, #tpu.memory_space<vmem>>
        %dma_start3A_36 = arith.constant 0 : i32
        %dma_start3A_37 = tpu.memref_slice %arg6[%add3A, %dma_start3A_36] : memref<10240x16xf32, #tpu.memory_space<vmem_shared>> -> memref<80x16xf32, #tpu.memory_space<vmem_shared>>
        %dma_start3A_38 = arith.constant 0 : i32
        %dma_start3A_39 = tpu.memref_slice %arg6[%add3A, %dma_start3A_38] : memref<10240x16xf32, #tpu.memory_space<vmem_shared>> -> memref<80x16xf32, #tpu.memory_space<vmem_shared>>
        %dma_start3A_40 = arith.constant 0 : i32
        %dma_start3A_41 = arith.constant 0 : i32
        %dma_start3A_42 = tpu.memref_slice %arg5[%dma_start3A_40, %dma_start3A_41] : memref<125x16xf32, #tpu.memory_space<vmem>> -> memref<80x16xf32, #tpu.memory_space<vmem>>
        tpu.enqueue_dma source(%dma_start3A_42 : memref<80x16xf32, #tpu.memory_space<vmem>>) target(%dma_start3A_39 : memref<80x16xf32, #tpu.memory_space<vmem_shared>>) target_semaphore(%run_scoped3A : memref<!tpu.dma_semaphore, #tpu.memory_space<semaphore_mem>>)
        %dma_wait3A = arith.constant 0 : i32
        %dma_wait3A_43 = arith.constant 0 : i32
        %dma_wait3A_44 = tpu.memref_slice %arg5[%dma_wait3A, %dma_wait3A_43] : memref<125x16xf32, #tpu.memory_space<vmem>> -> memref<80x16xf32, #tpu.memory_space<vmem>>
        %dma_wait3A_45 = arith.constant 0 : i32
        %dma_wait3A_46 = tpu.memref_slice %arg6[%add3A, %dma_wait3A_45] : memref<10240x16xf32, #tpu.memory_space<vmem_shared>> -> memref<80x16xf32, #tpu.memory_space<vmem_shared>>
        %dma_wait3A_47 = arith.constant 0 : i32
        %dma_wait3A_48 = tpu.memref_slice %arg6[%add3A, %dma_wait3A_47] : memref<10240x16xf32, #tpu.memory_space<vmem_shared>> -> memref<80x16xf32, #tpu.memory_space<vmem_shared>>
        %dma_wait3A_49 = arith.constant 0 : i32
        %dma_wait3A_50 = arith.constant 0 : i32
        %dma_wait3A_51 = tpu.memref_slice %arg5[%dma_wait3A_49, %dma_wait3A_50] : memref<125x16xf32, #tpu.memory_space<vmem>> -> memref<80x16xf32, #tpu.memory_space<vmem>>
        tpu.wait_dma2 semaphore(%run_scoped3A : memref<!tpu.dma_semaphore, #tpu.memory_space<semaphore_mem>>) src(%dma_wait3A_51 : memref<80x16xf32, #tpu.memory_space<vmem>>) dst(%dma_wait3A_48 : memref<80x16xf32, #tpu.memory_space<vmem_shared>>)
        tpu.yield
      }) : () -> ()
    }
    %scan3A_11 = arith.constant 8 : i32
    %scan3A_12 = arith.constant 0 : i32
    %scan3A_13 = arith.constant 0 : i32
    %scan3A_14 = arith.constant 125 : i32
    %scan3A_15 = arith.addi %scan3A_13, %scan3A_14 : i32
    %scan3A_16 = arith.constant 1 : i32
    scf.for %scan3A_31 = %scan3A_13 to %scan3A_15 step %scan3A_16  : i32 {
      %broadcast_in_dim3A = arith.constant 1.000000e+00 : f32
      %broadcast_in_dim3A_32 = vector.broadcast %broadcast_in_dim3A : f32 to vector<16xf32>
      %swap3A = arith.index_cast %scan3A_31 : i32 to index
      %swap3A_33 = arith.constant 0 : index
      %swap3A_34 = tpu.vector_load %arg5[%swap3A, %swap3A_33] {strides = array<i32>} : memref<125x16xf32, #tpu.memory_space<vmem>>, vector<1x16xf32>,
      %swap3A_35 = vector.shape_cast %swap3A_34 : vector<1x16xf32> to vector<16xf32>
      %swap3A_36 = vector.shape_cast %broadcast_in_dim3A_32 : vector<16xf32> to vector<1x16xf32>
      tpu.vector_store %arg5[%swap3A, %swap3A_33], %swap3A_36 {strides = array<i32>} : memref<125x16xf32, #tpu.memory_space<vmem>>, vector<1x16xf32>,
    }
    %scan3A_17 = arith.constant 125 : i32
    "tpu.region"() ({
      %run_scoped3A = tpu.sem_alloc : memref<!tpu.dma_semaphore, #tpu.memory_space<semaphore_mem>>
      %dma_start3A = arith.constant 0 : i32
      %dma_start3A_31 = arith.constant 0 : i32
      %dma_start3A_32 = tpu.memref_slice %arg2[%arg0, %arg1, %dma_start3A, %dma_start3A_31] : memref<2x16x80x125xi32, #tpu.memory_space<hbm>> -> memref<1x1x80x125xi32, #tpu.memory_space<hbm>>
      %dma_start3A_33 = tpu.memref_squeeze %dma_start3A_32 : memref<1x1x80x125xi32, #tpu.memory_space<hbm>> -> memref<80x125xi32, #tpu.memory_space<hbm>>
      %dma_start3A_34 = arith.constant 0 : i32
      %dma_start3A_35 = arith.constant 0 : i32
      %dma_start3A_36 = tpu.memref_slice %arg2[%arg0, %arg1, %dma_start3A_34, %dma_start3A_35] : memref<2x16x80x125xi32, #tpu.memory_space<hbm>> -> memref<1x1x80x125xi32, #tpu.memory_space<hbm>>
      %dma_start3A_37 = tpu.memref_squeeze %dma_start3A_36 : memref<1x1x80x125xi32, #tpu.memory_space<hbm>> -> memref<80x125xi32, #tpu.memory_space<hbm>>
      tpu.enqueue_dma source(%dma_start3A_37 : memref<80x125xi32, #tpu.memory_space<hbm>>) target(%arg4 : memref<80x125xi32, #tpu.memory_space<vmem>>) target_semaphore(%run_scoped3A : memref<!tpu.dma_semaphore, #tpu.memory_space<semaphore_mem>>)
      %dma_wait3A = arith.constant 0 : i32
      %dma_wait3A_38 = arith.constant 0 : i32
      %dma_wait3A_39 = tpu.memref_slice %arg2[%arg0, %arg1, %dma_wait3A, %dma_wait3A_38] : memref<2x16x80x125xi32, #tpu.memory_space<hbm>> -> memref<1x1x80x125xi32, #tpu.memory_space<hbm>>
      %dma_wait3A_40 = tpu.memref_squeeze %dma_wait3A_39 : memref<1x1x80x125xi32, #tpu.memory_space<hbm>> -> memref<80x125xi32, #tpu.memory_space<hbm>>
      %dma_wait3A_41 = arith.constant 0 : i32
      %dma_wait3A_42 = arith.constant 0 : i32
      %dma_wait3A_43 = tpu.memref_slice %arg2[%arg0, %arg1, %dma_wait3A_41, %dma_wait3A_42] : memref<2x16x80x125xi32, #tpu.memory_space<hbm>> -> memref<1x1x80x125xi32, #tpu.memory_space<hbm>>
      %dma_wait3A_44 = tpu.memref_squeeze %dma_wait3A_43 : memref<1x1x80x125xi32, #tpu.memory_space<hbm>> -> memref<80x125xi32, #tpu.memory_space<hbm>>
      tpu.wait_dma2 semaphore(%run_scoped3A : memref<!tpu.dma_semaphore, #tpu.memory_space<semaphore_mem>>) src(%dma_wait3A_44 : memref<80x125xi32, #tpu.memory_space<hbm>>) dst(%arg4 : memref<80x125xi32, #tpu.memory_space<vmem>>)
      tpu.yield
    }) : () -> ()
    %barrier3A = arith.constant 0 : index
    tpu.barrier barrier_id(%barrier3A)
    %scan3A_18 = arith.constant 0 : i32
    %scan3A_19 = arith.constant 0 : i32
    %scan3A_20 = arith.constant 80 : i32
    %scan3A_21 = arith.addi %scan3A_19, %scan3A_20 : i32
    %scan3A_22 = arith.constant 1 : i32
    scf.for %scan3A_31 = %scan3A_19 to %scan3A_21 step %scan3A_22  : i32 {
      %dma_start3A = arith.constant 0 : i32
      %dma_start3A_32 = tpu.memref_slice %arg4[%scan3A_31, %dma_start3A] : memref<80x125xi32, #tpu.memory_space<vmem>> -> memref<1x125xi32, #tpu.memory_space<vmem>>
      %dma_start3A_33 = tpu.memref_squeeze %dma_start3A_32 : memref<1x125xi32, #tpu.memory_space<vmem>> -> memref<125xi32, #tpu.memory_space<vmem>>
      %dma_start3A_34 = arith.constant 0 : i32
      %dma_start3A_35 = arith.constant 0 : i32
      %dma_start3A_36 = tpu.memref_slice %arg6[%dma_start3A_34, %dma_start3A_35] : memref<10240x16xf32, #tpu.memory_space<vmem_shared>> -> memref<10240x16xf32, #tpu.memory_space<vmem_shared>>
      tpu.enqueue_indirect_dma source(%arg5 : memref<125x16xf32, #tpu.memory_space<vmem>>) target(%dma_start3A_36 : memref<10240x16xf32, #tpu.memory_space<vmem_shared>>) offsets(%dma_start3A_33 : memref<125xi32, #tpu.memory_space<vmem>>) semaphore(%arg7 : memref<!tpu.dma_semaphore, #tpu.memory_space<semaphore_mem>>) {add = true}
    }
    %scan3A_23 = arith.constant 80 : i32
    %scan3A_24 = arith.constant 0 : i32
    %scan3A_25 = arith.constant 0 : i32
    %scan3A_26 = arith.constant 80 : i32
    %scan3A_27 = arith.addi %scan3A_25, %scan3A_26 : i32
    %scan3A_28 = arith.constant 1 : i32
    scf.for %scan3A_31 = %scan3A_25 to %scan3A_27 step %scan3A_28  : i32 {
      %dma_wait3A = arith.constant 0 : i32
      %dma_wait3A_32 = arith.constant 0 : i32
      %dma_wait3A_33 = tpu.memref_slice %arg4[%dma_wait3A, %dma_wait3A_32] : memref<80x125xi32, #tpu.memory_space<vmem>> -> memref<1x125xi32, #tpu.memory_space<vmem>>
      %dma_wait3A_34 = tpu.memref_squeeze %dma_wait3A_33 : memref<1x125xi32, #tpu.memory_space<vmem>> -> memref<125xi32, #tpu.memory_space<vmem>>
      %dma_wait3A_35 = arith.constant 0 : i32
      %dma_wait3A_36 = arith.constant 0 : i32
      %dma_wait3A_37 = tpu.memref_slice %arg6[%dma_wait3A_35, %dma_wait3A_36] : memref<10240x16xf32, #tpu.memory_space<vmem_shared>> -> memref<10240x16xf32, #tpu.memory_space<vmem_shared>>
      tpu.wait_indirect_dma semaphore(%arg7 : memref<!tpu.dma_semaphore, #tpu.memory_space<semaphore_mem>>) src(%arg5 : memref<125x16xf32, #tpu.memory_space<vmem>>) dst(%dma_wait3A_37 : memref<10240x16xf32, #tpu.memory_space<vmem_shared>>)
    }
    %scan3A_29 = arith.constant 80 : i32
    %barrier3A_30 = arith.constant 0 : index
    tpu.barrier barrier_id(%barrier3A_30)
    "tpu.region"() ({
      %run_scoped3A = tpu.sem_alloc : memref<!tpu.dma_semaphore, #tpu.memory_space<semaphore_mem>>
      %dma_start3A = arith.constant 0 : i32
      %dma_start3A_31 = tpu.memref_slice %arg3[%arg0, %mul3A_0, %dma_start3A] : memref<2x10240x16xf32, #tpu.memory_space<hbm>> -> memref<1x640x16xf32, #tpu.memory_space<hbm>>
      %dma_start3A_32 = tpu.memref_squeeze %dma_start3A_31 : memref<1x640x16xf32, #tpu.memory_space<hbm>> -> memref<640x16xf32, #tpu.memory_space<hbm>>
      %dma_start3A_33 = arith.constant 0 : i32
      %dma_start3A_34 = tpu.memref_slice %arg6[%mul3A_0, %dma_start3A_33] : memref<10240x16xf32, #tpu.memory_space<vmem_shared>> -> memref<640x16xf32, #tpu.memory_space<vmem_shared>>
      tpu.enqueue_dma source(%dma_start3A_34 : memref<640x16xf32, #tpu.memory_space<vmem_shared>>) target(%dma_start3A_32 : memref<640x16xf32, #tpu.memory_space<hbm>>) target_semaphore(%run_scoped3A : memref<!tpu.dma_semaphore, #tpu.memory_space<semaphore_mem>>)
      %dma_wait3A = arith.constant 0 : i32
      %dma_wait3A_35 = tpu.memref_slice %arg3[%arg0, %mul3A_0, %dma_wait3A] : memref<2x10240x16xf32, #tpu.memory_space<hbm>> -> memref<1x640x16xf32, #tpu.memory_space<hbm>>
      %dma_wait3A_36 = tpu.memref_squeeze %dma_wait3A_35 : memref<1x640x16xf32, #tpu.memory_space<hbm>> -> memref<640x16xf32, #tpu.memory_space<hbm>>
      %dma_wait3A_37 = arith.constant 0 : i32
      %dma_wait3A_38 = tpu.memref_slice %arg6[%mul3A_0, %dma_wait3A_37] : memref<10240x16xf32, #tpu.memory_space<vmem_shared>> -> memref<640x16xf32, #tpu.memory_space<vmem_shared>>
      tpu.wait_dma2 semaphore(%run_scoped3A : memref<!tpu.dma_semaphore, #tpu.memory_space<semaphore_mem>>) src(%dma_wait3A_38 : memref<640x16xf32, #tpu.memory_space<vmem_shared>>) dst(%dma_wait3A_36 : memref<640x16xf32, #tpu.memory_space<hbm>>)
      tpu.yield
    }) : () -> ()
    return
  }
}

#map = affine_map<(d0, d1) -> (0, 0, 0, 0)>
#map1 = affine_map<(d0, d1) -> (0, 0)>
#map2 = affine_map<(d0, d1) -> (0, 0, 0)>
module attributes {stable_mosaic.version = 14 : i64} {
  func.func @sc_scale_aggregate(%arg0: i32, %arg1: i32, %arg2: memref<2x16x80x125xi32, #tpu.memory_space<hbm>>, %arg3: memref<2x16x80x125xi32, #tpu.memory_space<hbm>>, %arg4: memref<10240x64xf32, #tpu.memory_space<hbm>>, %arg5: memref<2x10240x16xf32, #tpu.memory_space<hbm>>, %arg6: memref<2x10240x64xf32, #tpu.memory_space<hbm>>, %arg7: memref<10240x64xf32, #tpu.memory_space<hbm>>, %arg8: memref<80x125xi32, #tpu.memory_space<vmem>>, %arg9: memref<80x125xi32, #tpu.memory_space<vmem>>, %arg10: memref<2x320x16xf32, #tpu.memory_space<vmem>>, %arg11: memref<320x64xf32, #tpu.memory_space<vmem>>, %arg12: memref<125x64xf32, #tpu.memory_space<vmem>>, %arg13: memref<125x64xf32, #tpu.memory_space<vmem>>, %arg14: memref<125x64xf32, #tpu.memory_space<vmem>>, %arg15: memref<125x64xf32, #tpu.memory_space<vmem>>, %arg16: memref<10240x64xf32, #tpu.memory_space<vmem_shared>>, %arg17: memref<!tpu.dma_semaphore, #tpu.memory_space<semaphore_mem>>, %arg18: memref<!tpu.dma_semaphore, #tpu.memory_space<semaphore_mem>>, %arg19: memref<!tpu.dma_semaphore, #tpu.memory_space<semaphore_mem>>, %arg20: memref<!tpu.dma_semaphore, #tpu.memory_space<semaphore_mem>>, %arg21: memref<!tpu.dma_semaphore, #tpu.memory_space<semaphore_mem>>, %arg22: memref<!tpu.dma_semaphore, #tpu.memory_space<semaphore_mem>>, %arg23: memref<!tpu.dma_semaphore, #tpu.memory_space<semaphore_mem>>) attributes {dimension_semantics = [#tpu.dimension_semantics<core_parallel>, #tpu.dimension_semantics<subcore_parallel>], iteration_bounds = array<i64: 2, 16>, scalar_prefetch = 0 : i64, scratch_operands = 16 : i64, tpu.core_type = #tpu.core_type<sc_vector_subcore>, window_params = [{transform_indices = #map}, {transform_indices = #map}, {transform_indices = #map1}, {transform_indices = #map2}, {transform_indices = #map2}, {transform_indices = #map1}]} {
    %mul3A = arith.constant 640 : i32
    %mul3A_0 = arith.muli %arg1, %mul3A : i32
    %scan3A = arith.constant 0 : i32
    %scan3A_1 = arith.constant 0 : i32
    %scan3A_2 = arith.constant 125 : i32
    %scan3A_3 = arith.addi %scan3A_1, %scan3A_2 : i32
    %scan3A_4 = arith.constant 1 : i32
    scf.for %scan3A_212 = %scan3A_1 to %scan3A_3 step %scan3A_4  : i32 {
      %broadcast_in_dim3A = arith.constant 0.000000e+00 : f32
      %broadcast_in_dim3A_213 = vector.broadcast %broadcast_in_dim3A : f32 to vector<16xf32>
      %swap3A = arith.index_cast %scan3A_212 : i32 to index
      %swap3A_214 = arith.constant 0 : index
      %swap3A_215 = tpu.vector_load %arg12[%swap3A, %swap3A_214] {strides = array<i32>} : memref<125x64xf32, #tpu.memory_space<vmem>>, vector<1x16xf32>,
      %swap3A_216 = vector.shape_cast %swap3A_215 : vector<1x16xf32> to vector<16xf32>
      %swap3A_217 = vector.shape_cast %broadcast_in_dim3A_213 : vector<16xf32> to vector<1x16xf32>
      tpu.vector_store %arg12[%swap3A, %swap3A_214], %swap3A_217 {strides = array<i32>} : memref<125x64xf32, #tpu.memory_space<vmem>>, vector<1x16xf32>,
      %broadcast_in_dim3A_218 = arith.constant 0.000000e+00 : f32
      %broadcast_in_dim3A_219 = vector.broadcast %broadcast_in_dim3A_218 : f32 to vector<16xf32>
      %swap3A_220 = arith.index_cast %scan3A_212 : i32 to index
      %swap3A_221 = arith.constant 16 : index
      %swap3A_222 = tpu.vector_load %arg12[%swap3A_220, %swap3A_221] {strides = array<i32>} : memref<125x64xf32, #tpu.memory_space<vmem>>, vector<1x16xf32>,
      %swap3A_223 = vector.shape_cast %swap3A_222 : vector<1x16xf32> to vector<16xf32>
      %swap3A_224 = vector.shape_cast %broadcast_in_dim3A_219 : vector<16xf32> to vector<1x16xf32>
      tpu.vector_store %arg12[%swap3A_220, %swap3A_221], %swap3A_224 {strides = array<i32>} : memref<125x64xf32, #tpu.memory_space<vmem>>, vector<1x16xf32>,
      %broadcast_in_dim3A_225 = arith.constant 0.000000e+00 : f32
      %broadcast_in_dim3A_226 = vector.broadcast %broadcast_in_dim3A_225 : f32 to vector<16xf32>
      %swap3A_227 = arith.index_cast %scan3A_212 : i32 to index
      %swap3A_228 = arith.constant 32 : index
      %swap3A_229 = tpu.vector_load %arg12[%swap3A_227, %swap3A_228] {strides = array<i32>} : memref<125x64xf32, #tpu.memory_space<vmem>>, vector<1x16xf32>,
      %swap3A_230 = vector.shape_cast %swap3A_229 : vector<1x16xf32> to vector<16xf32>
      %swap3A_231 = vector.shape_cast %broadcast_in_dim3A_226 : vector<16xf32> to vector<1x16xf32>
      tpu.vector_store %arg12[%swap3A_227, %swap3A_228], %swap3A_231 {strides = array<i32>} : memref<125x64xf32, #tpu.memory_space<vmem>>, vector<1x16xf32>,
      %broadcast_in_dim3A_232 = arith.constant 0.000000e+00 : f32
      %broadcast_in_dim3A_233 = vector.broadcast %broadcast_in_dim3A_232 : f32 to vector<16xf32>
      %swap3A_234 = arith.index_cast %scan3A_212 : i32 to index
      %swap3A_235 = arith.constant 48 : index
      %swap3A_236 = tpu.vector_load %arg12[%swap3A_234, %swap3A_235] {strides = array<i32>} : memref<125x64xf32, #tpu.memory_space<vmem>>, vector<1x16xf32>,
      %swap3A_237 = vector.shape_cast %swap3A_236 : vector<1x16xf32> to vector<16xf32>
      %swap3A_238 = vector.shape_cast %broadcast_in_dim3A_233 : vector<16xf32> to vector<1x16xf32>
      tpu.vector_store %arg12[%swap3A_234, %swap3A_235], %swap3A_238 {strides = array<i32>} : memref<125x64xf32, #tpu.memory_space<vmem>>, vector<1x16xf32>,
    }
    %scan3A_5 = arith.constant 125 : i32
    %eq3A = arith.constant 1 : i32
    %eq3A_6 = arith.cmpi eq, %arg0, %eq3A : i32
    %convert_element_type3A = arith.extui %eq3A_6 : i1 to i32
    %cond3A = arith.constant 0 : i32
    %cond3A_7 = arith.cmpi ne, %convert_element_type3A, %cond3A : i32
    scf.if %cond3A_7 {
      %scan3A_212 = arith.constant 0 : i32
      %scan3A_213 = arith.constant 0 : i32
      %scan3A_214 = arith.constant 8 : i32
      %scan3A_215 = arith.addi %scan3A_213, %scan3A_214 : i32
      %scan3A_216 = arith.constant 1 : i32
      scf.for %scan3A_218 = %scan3A_213 to %scan3A_215 step %scan3A_216  : i32 {
        %mul3A_219 = arith.constant 80 : i32
        %mul3A_220 = arith.muli %scan3A_218, %mul3A_219 : i32
        %add3A_221 = arith.addi %mul3A_0, %mul3A_220 : i32
        "tpu.region"() ({
          %run_scoped3A = tpu.sem_alloc : memref<!tpu.dma_semaphore, #tpu.memory_space<semaphore_mem>>
          %dma_start3A_222 = arith.constant 0 : i32
          %dma_start3A_223 = arith.constant 0 : i32
          %dma_start3A_224 = tpu.memref_slice %arg12[%dma_start3A_222, %dma_start3A_223] : memref<125x64xf32, #tpu.memory_space<vmem>> -> memref<80x64xf32, #tpu.memory_space<vmem>>
          %dma_start3A_225 = arith.constant 0 : i32
          %dma_start3A_226 = tpu.memref_slice %arg16[%add3A_221, %dma_start3A_225] : memref<10240x64xf32, #tpu.memory_space<vmem_shared>> -> memref<80x64xf32, #tpu.memory_space<vmem_shared>>
          %dma_start3A_227 = arith.constant 0 : i32
          %dma_start3A_228 = tpu.memref_slice %arg16[%add3A_221, %dma_start3A_227] : memref<10240x64xf32, #tpu.memory_space<vmem_shared>> -> memref<80x64xf32, #tpu.memory_space<vmem_shared>>
          %dma_start3A_229 = arith.constant 0 : i32
          %dma_start3A_230 = arith.constant 0 : i32
          %dma_start3A_231 = tpu.memref_slice %arg12[%dma_start3A_229, %dma_start3A_230] : memref<125x64xf32, #tpu.memory_space<vmem>> -> memref<80x64xf32, #tpu.memory_space<vmem>>
          tpu.enqueue_dma source(%dma_start3A_231 : memref<80x64xf32, #tpu.memory_space<vmem>>) target(%dma_start3A_228 : memref<80x64xf32, #tpu.memory_space<vmem_shared>>) target_semaphore(%run_scoped3A : memref<!tpu.dma_semaphore, #tpu.memory_space<semaphore_mem>>)
          %dma_wait3A_232 = arith.constant 0 : i32
          %dma_wait3A_233 = arith.constant 0 : i32
          %dma_wait3A_234 = tpu.memref_slice %arg12[%dma_wait3A_232, %dma_wait3A_233] : memref<125x64xf32, #tpu.memory_space<vmem>> -> memref<80x64xf32, #tpu.memory_space<vmem>>
          %dma_wait3A_235 = arith.constant 0 : i32
          %dma_wait3A_236 = tpu.memref_slice %arg16[%add3A_221, %dma_wait3A_235] : memref<10240x64xf32, #tpu.memory_space<vmem_shared>> -> memref<80x64xf32, #tpu.memory_space<vmem_shared>>
          %dma_wait3A_237 = arith.constant 0 : i32
          %dma_wait3A_238 = tpu.memref_slice %arg16[%add3A_221, %dma_wait3A_237] : memref<10240x64xf32, #tpu.memory_space<vmem_shared>> -> memref<80x64xf32, #tpu.memory_space<vmem_shared>>
          %dma_wait3A_239 = arith.constant 0 : i32
          %dma_wait3A_240 = arith.constant 0 : i32
          %dma_wait3A_241 = tpu.memref_slice %arg12[%dma_wait3A_239, %dma_wait3A_240] : memref<125x64xf32, #tpu.memory_space<vmem>> -> memref<80x64xf32, #tpu.memory_space<vmem>>
          tpu.wait_dma2 semaphore(%run_scoped3A : memref<!tpu.dma_semaphore, #tpu.memory_space<semaphore_mem>>) src(%dma_wait3A_241 : memref<80x64xf32, #tpu.memory_space<vmem>>) dst(%dma_wait3A_238 : memref<80x64xf32, #tpu.memory_space<vmem_shared>>)
          tpu.yield
        }) : () -> ()
      }
      %scan3A_217 = arith.constant 8 : i32
    } else {
    }
    %dma_start3A = arith.constant 0 : i32
    %dma_start3A_8 = tpu.memref_slice %arg4[%mul3A_0, %dma_start3A] : memref<10240x64xf32, #tpu.memory_space<hbm>> -> memref<320x64xf32, #tpu.memory_space<hbm>>
    %dma_start3A_9 = arith.constant 0 : i32
    %dma_start3A_10 = tpu.memref_slice %arg4[%mul3A_0, %dma_start3A_9] : memref<10240x64xf32, #tpu.memory_space<hbm>> -> memref<320x64xf32, #tpu.memory_space<hbm>>
    tpu.enqueue_dma source(%dma_start3A_10 : memref<320x64xf32, #tpu.memory_space<hbm>>) target(%arg11 : memref<320x64xf32, #tpu.memory_space<vmem>>) target_semaphore(%arg21 : memref<!tpu.dma_semaphore, #tpu.memory_space<semaphore_mem>>)
    %dma_start3A_11 = arith.constant 0 : i32
    %dma_start3A_12 = arith.constant 0 : i32
    %dma_start3A_13 = arith.constant 0 : i32
    %dma_start3A_14 = arith.constant 0 : i32
    %dma_start3A_15 = tpu.memref_slice %arg10[%dma_start3A_12, %dma_start3A_13, %dma_start3A_14] : memref<2x320x16xf32, #tpu.memory_space<vmem>> -> memref<1x320x16xf32, #tpu.memory_space<vmem>>
    %dma_start3A_16 = tpu.memref_squeeze %dma_start3A_15 : memref<1x320x16xf32, #tpu.memory_space<vmem>> -> memref<320x16xf32, #tpu.memory_space<vmem>>
    %dma_start3A_17 = arith.constant 0 : i32
    %dma_start3A_18 = tpu.memref_slice %arg5[%dma_start3A_11, %mul3A_0, %dma_start3A_17] : memref<2x10240x16xf32, #tpu.memory_space<hbm>> -> memref<1x320x16xf32, #tpu.memory_space<hbm>>
    %dma_start3A_19 = tpu.memref_squeeze %dma_start3A_18 : memref<1x320x16xf32, #tpu.memory_space<hbm>> -> memref<320x16xf32, #tpu.memory_space<hbm>>
    %dma_start3A_20 = arith.constant 0 : i32
    %dma_start3A_21 = arith.constant 0 : i32
    %dma_start3A_22 = tpu.memref_slice %arg10[%dma_start3A_12, %dma_start3A_20, %dma_start3A_21] : memref<2x320x16xf32, #tpu.memory_space<vmem>> -> memref<1x320x16xf32, #tpu.memory_space<vmem>>
    %dma_start3A_23 = tpu.memref_squeeze %dma_start3A_22 : memref<1x320x16xf32, #tpu.memory_space<vmem>> -> memref<320x16xf32, #tpu.memory_space<vmem>>
    %dma_start3A_24 = arith.constant 0 : i32
    %dma_start3A_25 = tpu.memref_slice %arg5[%dma_start3A_11, %mul3A_0, %dma_start3A_24] : memref<2x10240x16xf32, #tpu.memory_space<hbm>> -> memref<1x320x16xf32, #tpu.memory_space<hbm>>
    %dma_start3A_26 = tpu.memref_squeeze %dma_start3A_25 : memref<1x320x16xf32, #tpu.memory_space<hbm>> -> memref<320x16xf32, #tpu.memory_space<hbm>>
    tpu.enqueue_dma source(%dma_start3A_26 : memref<320x16xf32, #tpu.memory_space<hbm>>) target(%dma_start3A_23 : memref<320x16xf32, #tpu.memory_space<vmem>>) target_semaphore(%arg22 : memref<!tpu.dma_semaphore, #tpu.memory_space<semaphore_mem>>)
    %dma_start3A_27 = arith.constant 1 : i32
    %dma_start3A_28 = arith.constant 1 : i32
    %dma_start3A_29 = arith.constant 0 : i32
    %dma_start3A_30 = arith.constant 0 : i32
    %dma_start3A_31 = tpu.memref_slice %arg10[%dma_start3A_28, %dma_start3A_29, %dma_start3A_30] : memref<2x320x16xf32, #tpu.memory_space<vmem>> -> memref<1x320x16xf32, #tpu.memory_space<vmem>>
    %dma_start3A_32 = tpu.memref_squeeze %dma_start3A_31 : memref<1x320x16xf32, #tpu.memory_space<vmem>> -> memref<320x16xf32, #tpu.memory_space<vmem>>
    %dma_start3A_33 = arith.constant 0 : i32
    %dma_start3A_34 = tpu.memref_slice %arg5[%dma_start3A_27, %mul3A_0, %dma_start3A_33] : memref<2x10240x16xf32, #tpu.memory_space<hbm>> -> memref<1x320x16xf32, #tpu.memory_space<hbm>>
    %dma_start3A_35 = tpu.memref_squeeze %dma_start3A_34 : memref<1x320x16xf32, #tpu.memory_space<hbm>> -> memref<320x16xf32, #tpu.memory_space<hbm>>
    %dma_start3A_36 = arith.constant 0 : i32
    %dma_start3A_37 = arith.constant 0 : i32
    %dma_start3A_38 = tpu.memref_slice %arg10[%dma_start3A_28, %dma_start3A_36, %dma_start3A_37] : memref<2x320x16xf32, #tpu.memory_space<vmem>> -> memref<1x320x16xf32, #tpu.memory_space<vmem>>
    %dma_start3A_39 = tpu.memref_squeeze %dma_start3A_38 : memref<1x320x16xf32, #tpu.memory_space<vmem>> -> memref<320x16xf32, #tpu.memory_space<vmem>>
    %dma_start3A_40 = arith.constant 0 : i32
    %dma_start3A_41 = tpu.memref_slice %arg5[%dma_start3A_27, %mul3A_0, %dma_start3A_40] : memref<2x10240x16xf32, #tpu.memory_space<hbm>> -> memref<1x320x16xf32, #tpu.memory_space<hbm>>
    %dma_start3A_42 = tpu.memref_squeeze %dma_start3A_41 : memref<1x320x16xf32, #tpu.memory_space<hbm>> -> memref<320x16xf32, #tpu.memory_space<hbm>>
    tpu.enqueue_dma source(%dma_start3A_42 : memref<320x16xf32, #tpu.memory_space<hbm>>) target(%dma_start3A_39 : memref<320x16xf32, #tpu.memory_space<vmem>>) target_semaphore(%arg23 : memref<!tpu.dma_semaphore, #tpu.memory_space<semaphore_mem>>)
    "tpu.region"() ({
      %run_scoped3A = tpu.sem_alloc : memref<!tpu.dma_semaphore, #tpu.memory_space<semaphore_mem>>
      %dma_start3A_212 = arith.constant 0 : i32
      %dma_start3A_213 = arith.constant 0 : i32
      %dma_start3A_214 = tpu.memref_slice %arg2[%arg0, %arg1, %dma_start3A_212, %dma_start3A_213] : memref<2x16x80x125xi32, #tpu.memory_space<hbm>> -> memref<1x1x80x125xi32, #tpu.memory_space<hbm>>
      %dma_start3A_215 = tpu.memref_squeeze %dma_start3A_214 : memref<1x1x80x125xi32, #tpu.memory_space<hbm>> -> memref<80x125xi32, #tpu.memory_space<hbm>>
      %dma_start3A_216 = arith.constant 0 : i32
      %dma_start3A_217 = arith.constant 0 : i32
      %dma_start3A_218 = tpu.memref_slice %arg2[%arg0, %arg1, %dma_start3A_216, %dma_start3A_217] : memref<2x16x80x125xi32, #tpu.memory_space<hbm>> -> memref<1x1x80x125xi32, #tpu.memory_space<hbm>>
      %dma_start3A_219 = tpu.memref_squeeze %dma_start3A_218 : memref<1x1x80x125xi32, #tpu.memory_space<hbm>> -> memref<80x125xi32, #tpu.memory_space<hbm>>
      tpu.enqueue_dma source(%dma_start3A_219 : memref<80x125xi32, #tpu.memory_space<hbm>>) target(%arg8 : memref<80x125xi32, #tpu.memory_space<vmem>>) target_semaphore(%run_scoped3A : memref<!tpu.dma_semaphore, #tpu.memory_space<semaphore_mem>>)
      %dma_wait3A_220 = arith.constant 0 : i32
      %dma_wait3A_221 = arith.constant 0 : i32
      %dma_wait3A_222 = tpu.memref_slice %arg2[%arg0, %arg1, %dma_wait3A_220, %dma_wait3A_221] : memref<2x16x80x125xi32, #tpu.memory_space<hbm>> -> memref<1x1x80x125xi32, #tpu.memory_space<hbm>>
      %dma_wait3A_223 = tpu.memref_squeeze %dma_wait3A_222 : memref<1x1x80x125xi32, #tpu.memory_space<hbm>> -> memref<80x125xi32, #tpu.memory_space<hbm>>
      %dma_wait3A_224 = arith.constant 0 : i32
      %dma_wait3A_225 = arith.constant 0 : i32
      %dma_wait3A_226 = tpu.memref_slice %arg2[%arg0, %arg1, %dma_wait3A_224, %dma_wait3A_225] : memref<2x16x80x125xi32, #tpu.memory_space<hbm>> -> memref<1x1x80x125xi32, #tpu.memory_space<hbm>>
      %dma_wait3A_227 = tpu.memref_squeeze %dma_wait3A_226 : memref<1x1x80x125xi32, #tpu.memory_space<hbm>> -> memref<80x125xi32, #tpu.memory_space<hbm>>
      tpu.wait_dma2 semaphore(%run_scoped3A : memref<!tpu.dma_semaphore, #tpu.memory_space<semaphore_mem>>) src(%dma_wait3A_227 : memref<80x125xi32, #tpu.memory_space<hbm>>) dst(%arg8 : memref<80x125xi32, #tpu.memory_space<vmem>>)
      tpu.yield
    }) : () -> ()
    "tpu.region"() ({
      %run_scoped3A = tpu.sem_alloc : memref<!tpu.dma_semaphore, #tpu.memory_space<semaphore_mem>>
      %dma_start3A_212 = arith.constant 0 : i32
      %dma_start3A_213 = arith.constant 0 : i32
      %dma_start3A_214 = tpu.memref_slice %arg3[%arg0, %arg1, %dma_start3A_212, %dma_start3A_213] : memref<2x16x80x125xi32, #tpu.memory_space<hbm>> -> memref<1x1x80x125xi32, #tpu.memory_space<hbm>>
      %dma_start3A_215 = tpu.memref_squeeze %dma_start3A_214 : memref<1x1x80x125xi32, #tpu.memory_space<hbm>> -> memref<80x125xi32, #tpu.memory_space<hbm>>
      %dma_start3A_216 = arith.constant 0 : i32
      %dma_start3A_217 = arith.constant 0 : i32
      %dma_start3A_218 = tpu.memref_slice %arg3[%arg0, %arg1, %dma_start3A_216, %dma_start3A_217] : memref<2x16x80x125xi32, #tpu.memory_space<hbm>> -> memref<1x1x80x125xi32, #tpu.memory_space<hbm>>
      %dma_start3A_219 = tpu.memref_squeeze %dma_start3A_218 : memref<1x1x80x125xi32, #tpu.memory_space<hbm>> -> memref<80x125xi32, #tpu.memory_space<hbm>>
      tpu.enqueue_dma source(%dma_start3A_219 : memref<80x125xi32, #tpu.memory_space<hbm>>) target(%arg9 : memref<80x125xi32, #tpu.memory_space<vmem>>) target_semaphore(%run_scoped3A : memref<!tpu.dma_semaphore, #tpu.memory_space<semaphore_mem>>)
      %dma_wait3A_220 = arith.constant 0 : i32
      %dma_wait3A_221 = arith.constant 0 : i32
      %dma_wait3A_222 = tpu.memref_slice %arg3[%arg0, %arg1, %dma_wait3A_220, %dma_wait3A_221] : memref<2x16x80x125xi32, #tpu.memory_space<hbm>> -> memref<1x1x80x125xi32, #tpu.memory_space<hbm>>
      %dma_wait3A_223 = tpu.memref_squeeze %dma_wait3A_222 : memref<1x1x80x125xi32, #tpu.memory_space<hbm>> -> memref<80x125xi32, #tpu.memory_space<hbm>>
      %dma_wait3A_224 = arith.constant 0 : i32
      %dma_wait3A_225 = arith.constant 0 : i32
      %dma_wait3A_226 = tpu.memref_slice %arg3[%arg0, %arg1, %dma_wait3A_224, %dma_wait3A_225] : memref<2x16x80x125xi32, #tpu.memory_space<hbm>> -> memref<1x1x80x125xi32, #tpu.memory_space<hbm>>
      %dma_wait3A_227 = tpu.memref_squeeze %dma_wait3A_226 : memref<1x1x80x125xi32, #tpu.memory_space<hbm>> -> memref<80x125xi32, #tpu.memory_space<hbm>>
      tpu.wait_dma2 semaphore(%run_scoped3A : memref<!tpu.dma_semaphore, #tpu.memory_space<semaphore_mem>>) src(%dma_wait3A_227 : memref<80x125xi32, #tpu.memory_space<hbm>>) dst(%arg9 : memref<80x125xi32, #tpu.memory_space<vmem>>)
      tpu.yield
    }) : () -> ()
    %add3A = arith.constant 0 : i32
    %add3A_43 = arith.addi %mul3A_0, %add3A : i32
    %dma_wait3A = arith.constant 0 : i32
    %dma_wait3A_44 = tpu.memref_slice %arg4[%add3A_43, %dma_wait3A] : memref<10240x64xf32, #tpu.memory_space<hbm>> -> memref<320x64xf32, #tpu.memory_space<hbm>>
    %dma_wait3A_45 = arith.constant 0 : i32
    %dma_wait3A_46 = tpu.memref_slice %arg4[%add3A_43, %dma_wait3A_45] : memref<10240x64xf32, #tpu.memory_space<hbm>> -> memref<320x64xf32, #tpu.memory_space<hbm>>
    tpu.wait_dma2 semaphore(%arg21 : memref<!tpu.dma_semaphore, #tpu.memory_space<semaphore_mem>>) src(%dma_wait3A_46 : memref<320x64xf32, #tpu.memory_space<hbm>>) dst(%arg11 : memref<320x64xf32, #tpu.memory_space<vmem>>)
    %dma_wait3A_47 = arith.constant 0 : i32
    %dma_wait3A_48 = arith.constant 0 : i32
    %dma_wait3A_49 = arith.constant 0 : i32
    %dma_wait3A_50 = arith.constant 0 : i32
    %dma_wait3A_51 = tpu.memref_slice %arg10[%dma_wait3A_48, %dma_wait3A_49, %dma_wait3A_50] : memref<2x320x16xf32, #tpu.memory_space<vmem>> -> memref<1x320x16xf32, #tpu.memory_space<vmem>>
    %dma_wait3A_52 = tpu.memref_squeeze %dma_wait3A_51 : memref<1x320x16xf32, #tpu.memory_space<vmem>> -> memref<320x16xf32, #tpu.memory_space<vmem>>
    %dma_wait3A_53 = arith.constant 0 : i32
    %dma_wait3A_54 = tpu.memref_slice %arg5[%dma_wait3A_47, %add3A_43, %dma_wait3A_53] : memref<2x10240x16xf32, #tpu.memory_space<hbm>> -> memref<1x320x16xf32, #tpu.memory_space<hbm>>
    %dma_wait3A_55 = tpu.memref_squeeze %dma_wait3A_54 : memref<1x320x16xf32, #tpu.memory_space<hbm>> -> memref<320x16xf32, #tpu.memory_space<hbm>>
    %dma_wait3A_56 = arith.constant 0 : i32
    %dma_wait3A_57 = arith.constant 0 : i32
    %dma_wait3A_58 = tpu.memref_slice %arg10[%dma_wait3A_48, %dma_wait3A_56, %dma_wait3A_57] : memref<2x320x16xf32, #tpu.memory_space<vmem>> -> memref<1x320x16xf32, #tpu.memory_space<vmem>>
    %dma_wait3A_59 = tpu.memref_squeeze %dma_wait3A_58 : memref<1x320x16xf32, #tpu.memory_space<vmem>> -> memref<320x16xf32, #tpu.memory_space<vmem>>
    %dma_wait3A_60 = arith.constant 0 : i32
    %dma_wait3A_61 = tpu.memref_slice %arg5[%dma_wait3A_47, %add3A_43, %dma_wait3A_60] : memref<2x10240x16xf32, #tpu.memory_space<hbm>> -> memref<1x320x16xf32, #tpu.memory_space<hbm>>
    %dma_wait3A_62 = tpu.memref_squeeze %dma_wait3A_61 : memref<1x320x16xf32, #tpu.memory_space<hbm>> -> memref<320x16xf32, #tpu.memory_space<hbm>>
    tpu.wait_dma2 semaphore(%arg22 : memref<!tpu.dma_semaphore, #tpu.memory_space<semaphore_mem>>) src(%dma_wait3A_62 : memref<320x16xf32, #tpu.memory_space<hbm>>) dst(%dma_wait3A_59 : memref<320x16xf32, #tpu.memory_space<vmem>>)
    %dma_wait3A_63 = arith.constant 1 : i32
    %dma_wait3A_64 = arith.constant 1 : i32
    %dma_wait3A_65 = arith.constant 0 : i32
    %dma_wait3A_66 = arith.constant 0 : i32
    %dma_wait3A_67 = tpu.memref_slice %arg10[%dma_wait3A_64, %dma_wait3A_65, %dma_wait3A_66] : memref<2x320x16xf32, #tpu.memory_space<vmem>> -> memref<1x320x16xf32, #tpu.memory_space<vmem>>
    %dma_wait3A_68 = tpu.memref_squeeze %dma_wait3A_67 : memref<1x320x16xf32, #tpu.memory_space<vmem>> -> memref<320x16xf32, #tpu.memory_space<vmem>>
    %dma_wait3A_69 = arith.constant 0 : i32
    %dma_wait3A_70 = tpu.memref_slice %arg5[%dma_wait3A_63, %add3A_43, %dma_wait3A_69] : memref<2x10240x16xf32, #tpu.memory_space<hbm>> -> memref<1x320x16xf32, #tpu.memory_space<hbm>>
    %dma_wait3A_71 = tpu.memref_squeeze %dma_wait3A_70 : memref<1x320x16xf32, #tpu.memory_space<hbm>> -> memref<320x16xf32, #tpu.memory_space<hbm>>
    %dma_wait3A_72 = arith.constant 0 : i32
    %dma_wait3A_73 = arith.constant 0 : i32
    %dma_wait3A_74 = tpu.memref_slice %arg10[%dma_wait3A_64, %dma_wait3A_72, %dma_wait3A_73] : memref<2x320x16xf32, #tpu.memory_space<vmem>> -> memref<1x320x16xf32, #tpu.memory_space<vmem>>
    %dma_wait3A_75 = tpu.memref_squeeze %dma_wait3A_74 : memref<1x320x16xf32, #tpu.memory_space<vmem>> -> memref<320x16xf32, #tpu.memory_space<vmem>>
    %dma_wait3A_76 = arith.constant 0 : i32
    %dma_wait3A_77 = tpu.memref_slice %arg5[%dma_wait3A_63, %add3A_43, %dma_wait3A_76] : memref<2x10240x16xf32, #tpu.memory_space<hbm>> -> memref<1x320x16xf32, #tpu.memory_space<hbm>>
    %dma_wait3A_78 = tpu.memref_squeeze %dma_wait3A_77 : memref<1x320x16xf32, #tpu.memory_space<hbm>> -> memref<320x16xf32, #tpu.memory_space<hbm>>
    tpu.wait_dma2 semaphore(%arg23 : memref<!tpu.dma_semaphore, #tpu.memory_space<semaphore_mem>>) src(%dma_wait3A_78 : memref<320x16xf32, #tpu.memory_space<hbm>>) dst(%dma_wait3A_75 : memref<320x16xf32, #tpu.memory_space<vmem>>)
    %scan3A_79 = arith.constant 0 : i32
    %scan3A_80 = arith.constant 0 : i32
    %scan3A_81 = arith.constant 160 : i32
    %scan3A_82 = arith.addi %scan3A_80, %scan3A_81 : i32
    %scan3A_83 = arith.constant 1 : i32
    scf.for %scan3A_212 = %scan3A_80 to %scan3A_82 step %scan3A_83  : i32 {
      %mul3A_213 = arith.constant 2 : i32
      %mul3A_214 = arith.muli %mul3A_213, %scan3A_212 : i32
      %add3A_215 = arith.constant 0 : i32
      %add3A_216 = arith.addi %mul3A_214, %add3A_215 : i32
      %get3A = arith.constant 0 : i32
      %get3A_217 = arith.index_cast %get3A : i32 to index
      %get3A_218 = arith.index_cast %add3A_216 : i32 to index
      %get3A_219 = arith.constant 0 : index
      %get3A_220 = tpu.vector_load %arg10[%get3A_217, %get3A_218, %get3A_219] {strides = array<i32>} : memref<2x320x16xf32, #tpu.memory_space<vmem>>, vector<1x1x16xf32>,
      %get3A_221 = vector.shape_cast %get3A_220 : vector<1x1x16xf32> to vector<16xf32>
      %get3A_222 = arith.constant 1 : i32
      %get3A_223 = arith.index_cast %get3A_222 : i32 to index
      %get3A_224 = arith.index_cast %add3A_216 : i32 to index
      %get3A_225 = arith.constant 0 : index
      %get3A_226 = tpu.vector_load %arg10[%get3A_223, %get3A_224, %get3A_225] {strides = array<i32>} : memref<2x320x16xf32, #tpu.memory_space<vmem>>, vector<1x1x16xf32>,
      %get3A_227 = vector.shape_cast %get3A_226 : vector<1x1x16xf32> to vector<16xf32>
      %add3A_228 = arith.addf %get3A_221, %get3A_227 : vector<16xf32>
      %add3A_229 = arith.constant 1.000000e+00 : f32
      %add3A_230 = vector.broadcast %add3A_229 : f32 to vector<16xf32>
      %add3A_231 = arith.addf %add3A_228, %add3A_230 : vector<16xf32>
      %bitcast_convert_type3A = tpu.bitcast %add3A_231 : vector<16xf32> -> vector<16xi32>
      %broadcast_in_dim3A = arith.constant 1597463007 : i32
      %broadcast_in_dim3A_232 = vector.broadcast %broadcast_in_dim3A : i32 to vector<16xi32>
      %shift_right_arithmetic3A = arith.constant 1 : i32
      %shift_right_arithmetic3A_233 = vector.broadcast %shift_right_arithmetic3A : i32 to vector<16xi32>
      %shift_right_arithmetic3A_234 = arith.shrsi %bitcast_convert_type3A, %shift_right_arithmetic3A_233 : vector<16xi32>
      %sub3A = arith.subi %broadcast_in_dim3A_232, %shift_right_arithmetic3A_234 : vector<16xi32>
      %bitcast_convert_type3A_235 = tpu.bitcast %sub3A : vector<16xi32> -> vector<16xf32>
      %mul3A_236 = arith.constant 5.000000e-01 : f32
      %mul3A_237 = vector.broadcast %mul3A_236 : f32 to vector<16xf32>
      %mul3A_238 = arith.mulf %mul3A_237, %add3A_231 : vector<16xf32>
      %mul3A_239 = arith.mulf %mul3A_238, %bitcast_convert_type3A_235 : vector<16xf32>
      %mul3A_240 = arith.mulf %mul3A_239, %bitcast_convert_type3A_235 : vector<16xf32>
      %sub3A_241 = arith.constant 1.500000e+00 : f32
      %sub3A_242 = vector.broadcast %sub3A_241 : f32 to vector<16xf32>
      %sub3A_243 = arith.subf %sub3A_242, %mul3A_240 : vector<16xf32>
      %mul3A_244 = arith.mulf %bitcast_convert_type3A_235, %sub3A_243 : vector<16xf32>
      %mul3A_245 = arith.constant 5.000000e-01 : f32
      %mul3A_246 = vector.broadcast %mul3A_245 : f32 to vector<16xf32>
      %mul3A_247 = arith.mulf %mul3A_246, %add3A_231 : vector<16xf32>
      %mul3A_248 = arith.mulf %mul3A_247, %mul3A_244 : vector<16xf32>
      %mul3A_249 = arith.mulf %mul3A_248, %mul3A_244 : vector<16xf32>
      %sub3A_250 = arith.constant 1.500000e+00 : f32
      %sub3A_251 = vector.broadcast %sub3A_250 : f32 to vector<16xf32>
      %sub3A_252 = arith.subf %sub3A_251, %mul3A_249 : vector<16xf32>
      %mul3A_253 = arith.mulf %mul3A_244, %sub3A_252 : vector<16xf32>
      %mul3A_254 = arith.constant 5.000000e-01 : f32
      %mul3A_255 = vector.broadcast %mul3A_254 : f32 to vector<16xf32>
      %mul3A_256 = arith.mulf %mul3A_255, %add3A_231 : vector<16xf32>
      %mul3A_257 = arith.mulf %mul3A_256, %mul3A_253 : vector<16xf32>
      %mul3A_258 = arith.mulf %mul3A_257, %mul3A_253 : vector<16xf32>
      %sub3A_259 = arith.constant 1.500000e+00 : f32
      %sub3A_260 = vector.broadcast %sub3A_259 : f32 to vector<16xf32>
      %sub3A_261 = arith.subf %sub3A_260, %mul3A_258 : vector<16xf32>
      %mul3A_262 = arith.mulf %mul3A_253, %sub3A_261 : vector<16xf32>
      %get3A_263 = arith.index_cast %add3A_216 : i32 to index
      %get3A_264 = arith.constant 0 : index
      %get3A_265 = tpu.vector_load %arg11[%get3A_263, %get3A_264] {strides = array<i32>} : memref<320x64xf32, #tpu.memory_space<vmem>>, vector<1x16xf32>,
      %get3A_266 = vector.shape_cast %get3A_265 : vector<1x16xf32> to vector<16xf32>
      %mul3A_267 = arith.mulf %get3A_266, %mul3A_262 : vector<16xf32>
      %swap3A = arith.index_cast %add3A_216 : i32 to index
      %swap3A_268 = arith.constant 0 : index
      %swap3A_269 = tpu.vector_load %arg11[%swap3A, %swap3A_268] {strides = array<i32>} : memref<320x64xf32, #tpu.memory_space<vmem>>, vector<1x16xf32>,
      %swap3A_270 = vector.shape_cast %swap3A_269 : vector<1x16xf32> to vector<16xf32>
      %swap3A_271 = vector.shape_cast %mul3A_267 : vector<16xf32> to vector<1x16xf32>
      tpu.vector_store %arg11[%swap3A, %swap3A_268], %swap3A_271 {strides = array<i32>} : memref<320x64xf32, #tpu.memory_space<vmem>>, vector<1x16xf32>,
      %get3A_272 = arith.index_cast %add3A_216 : i32 to index
      %get3A_273 = arith.constant 16 : index
      %get3A_274 = tpu.vector_load %arg11[%get3A_272, %get3A_273] {strides = array<i32>} : memref<320x64xf32, #tpu.memory_space<vmem>>, vector<1x16xf32>,
      %get3A_275 = vector.shape_cast %get3A_274 : vector<1x16xf32> to vector<16xf32>
      %mul3A_276 = arith.mulf %get3A_275, %mul3A_262 : vector<16xf32>
      %swap3A_277 = arith.index_cast %add3A_216 : i32 to index
      %swap3A_278 = arith.constant 16 : index
      %swap3A_279 = tpu.vector_load %arg11[%swap3A_277, %swap3A_278] {strides = array<i32>} : memref<320x64xf32, #tpu.memory_space<vmem>>, vector<1x16xf32>,
      %swap3A_280 = vector.shape_cast %swap3A_279 : vector<1x16xf32> to vector<16xf32>
      %swap3A_281 = vector.shape_cast %mul3A_276 : vector<16xf32> to vector<1x16xf32>
      tpu.vector_store %arg11[%swap3A_277, %swap3A_278], %swap3A_281 {strides = array<i32>} : memref<320x64xf32, #tpu.memory_space<vmem>>, vector<1x16xf32>,
      %get3A_282 = arith.index_cast %add3A_216 : i32 to index
      %get3A_283 = arith.constant 32 : index
      %get3A_284 = tpu.vector_load %arg11[%get3A_282, %get3A_283] {strides = array<i32>} : memref<320x64xf32, #tpu.memory_space<vmem>>, vector<1x16xf32>,
      %get3A_285 = vector.shape_cast %get3A_284 : vector<1x16xf32> to vector<16xf32>
      %mul3A_286 = arith.mulf %get3A_285, %mul3A_262 : vector<16xf32>
      %swap3A_287 = arith.index_cast %add3A_216 : i32 to index
      %swap3A_288 = arith.constant 32 : index
      %swap3A_289 = tpu.vector_load %arg11[%swap3A_287, %swap3A_288] {strides = array<i32>} : memref<320x64xf32, #tpu.memory_space<vmem>>, vector<1x16xf32>,
      %swap3A_290 = vector.shape_cast %swap3A_289 : vector<1x16xf32> to vector<16xf32>
      %swap3A_291 = vector.shape_cast %mul3A_286 : vector<16xf32> to vector<1x16xf32>
      tpu.vector_store %arg11[%swap3A_287, %swap3A_288], %swap3A_291 {strides = array<i32>} : memref<320x64xf32, #tpu.memory_space<vmem>>, vector<1x16xf32>,
      %get3A_292 = arith.index_cast %add3A_216 : i32 to index
      %get3A_293 = arith.constant 48 : index
      %get3A_294 = tpu.vector_load %arg11[%get3A_292, %get3A_293] {strides = array<i32>} : memref<320x64xf32, #tpu.memory_space<vmem>>, vector<1x16xf32>,
      %get3A_295 = vector.shape_cast %get3A_294 : vector<1x16xf32> to vector<16xf32>
      %mul3A_296 = arith.mulf %get3A_295, %mul3A_262 : vector<16xf32>
      %swap3A_297 = arith.index_cast %add3A_216 : i32 to index
      %swap3A_298 = arith.constant 48 : index
      %swap3A_299 = tpu.vector_load %arg11[%swap3A_297, %swap3A_298] {strides = array<i32>} : memref<320x64xf32, #tpu.memory_space<vmem>>, vector<1x16xf32>,
      %swap3A_300 = vector.shape_cast %swap3A_299 : vector<1x16xf32> to vector<16xf32>
      %swap3A_301 = vector.shape_cast %mul3A_296 : vector<16xf32> to vector<1x16xf32>
      tpu.vector_store %arg11[%swap3A_297, %swap3A_298], %swap3A_301 {strides = array<i32>} : memref<320x64xf32, #tpu.memory_space<vmem>>, vector<1x16xf32>,
      %mul3A_302 = arith.constant 2 : i32
      %mul3A_303 = arith.muli %mul3A_302, %scan3A_212 : i32
      %add3A_304 = arith.constant 1 : i32
      %add3A_305 = arith.addi %mul3A_303, %add3A_304 : i32
      %get3A_306 = arith.constant 0 : i32
      %get3A_307 = arith.index_cast %get3A_306 : i32 to index
      %get3A_308 = arith.index_cast %add3A_305 : i32 to index
      %get3A_309 = arith.constant 0 : index
      %get3A_310 = tpu.vector_load %arg10[%get3A_307, %get3A_308, %get3A_309] {strides = array<i32>} : memref<2x320x16xf32, #tpu.memory_space<vmem>>, vector<1x1x16xf32>,
      %get3A_311 = vector.shape_cast %get3A_310 : vector<1x1x16xf32> to vector<16xf32>
      %get3A_312 = arith.constant 1 : i32
      %get3A_313 = arith.index_cast %get3A_312 : i32 to index
      %get3A_314 = arith.index_cast %add3A_305 : i32 to index
      %get3A_315 = arith.constant 0 : index
      %get3A_316 = tpu.vector_load %arg10[%get3A_313, %get3A_314, %get3A_315] {strides = array<i32>} : memref<2x320x16xf32, #tpu.memory_space<vmem>>, vector<1x1x16xf32>,
      %get3A_317 = vector.shape_cast %get3A_316 : vector<1x1x16xf32> to vector<16xf32>
      %add3A_318 = arith.addf %get3A_311, %get3A_317 : vector<16xf32>
      %add3A_319 = arith.constant 1.000000e+00 : f32
      %add3A_320 = vector.broadcast %add3A_319 : f32 to vector<16xf32>
      %add3A_321 = arith.addf %add3A_318, %add3A_320 : vector<16xf32>
      %bitcast_convert_type3A_322 = tpu.bitcast %add3A_321 : vector<16xf32> -> vector<16xi32>
      %broadcast_in_dim3A_323 = arith.constant 1597463007 : i32
      %broadcast_in_dim3A_324 = vector.broadcast %broadcast_in_dim3A_323 : i32 to vector<16xi32>
      %shift_right_arithmetic3A_325 = arith.constant 1 : i32
      %shift_right_arithmetic3A_326 = vector.broadcast %shift_right_arithmetic3A_325 : i32 to vector<16xi32>
      %shift_right_arithmetic3A_327 = arith.shrsi %bitcast_convert_type3A_322, %shift_right_arithmetic3A_326 : vector<16xi32>
      %sub3A_328 = arith.subi %broadcast_in_dim3A_324, %shift_right_arithmetic3A_327 : vector<16xi32>
      %bitcast_convert_type3A_329 = tpu.bitcast %sub3A_328 : vector<16xi32> -> vector<16xf32>
      %mul3A_330 = arith.constant 5.000000e-01 : f32
      %mul3A_331 = vector.broadcast %mul3A_330 : f32 to vector<16xf32>
      %mul3A_332 = arith.mulf %mul3A_331, %add3A_321 : vector<16xf32>
      %mul3A_333 = arith.mulf %mul3A_332, %bitcast_convert_type3A_329 : vector<16xf32>
      %mul3A_334 = arith.mulf %mul3A_333, %bitcast_convert_type3A_329 : vector<16xf32>
      %sub3A_335 = arith.constant 1.500000e+00 : f32
      %sub3A_336 = vector.broadcast %sub3A_335 : f32 to vector<16xf32>
      %sub3A_337 = arith.subf %sub3A_336, %mul3A_334 : vector<16xf32>
      %mul3A_338 = arith.mulf %bitcast_convert_type3A_329, %sub3A_337 : vector<16xf32>
      %mul3A_339 = arith.constant 5.000000e-01 : f32
      %mul3A_340 = vector.broadcast %mul3A_339 : f32 to vector<16xf32>
      %mul3A_341 = arith.mulf %mul3A_340, %add3A_321 : vector<16xf32>
      %mul3A_342 = arith.mulf %mul3A_341, %mul3A_338 : vector<16xf32>
      %mul3A_343 = arith.mulf %mul3A_342, %mul3A_338 : vector<16xf32>
      %sub3A_344 = arith.constant 1.500000e+00 : f32
      %sub3A_345 = vector.broadcast %sub3A_344 : f32 to vector<16xf32>
      %sub3A_346 = arith.subf %sub3A_345, %mul3A_343 : vector<16xf32>
      %mul3A_347 = arith.mulf %mul3A_338, %sub3A_346 : vector<16xf32>
      %mul3A_348 = arith.constant 5.000000e-01 : f32
      %mul3A_349 = vector.broadcast %mul3A_348 : f32 to vector<16xf32>
      %mul3A_350 = arith.mulf %mul3A_349, %add3A_321 : vector<16xf32>
      %mul3A_351 = arith.mulf %mul3A_350, %mul3A_347 : vector<16xf32>
      %mul3A_352 = arith.mulf %mul3A_351, %mul3A_347 : vector<16xf32>
      %sub3A_353 = arith.constant 1.500000e+00 : f32
      %sub3A_354 = vector.broadcast %sub3A_353 : f32 to vector<16xf32>
      %sub3A_355 = arith.subf %sub3A_354, %mul3A_352 : vector<16xf32>
      %mul3A_356 = arith.mulf %mul3A_347, %sub3A_355 : vector<16xf32>
      %get3A_357 = arith.index_cast %add3A_305 : i32 to index
      %get3A_358 = arith.constant 0 : index
      %get3A_359 = tpu.vector_load %arg11[%get3A_357, %get3A_358] {strides = array<i32>} : memref<320x64xf32, #tpu.memory_space<vmem>>, vector<1x16xf32>,
      %get3A_360 = vector.shape_cast %get3A_359 : vector<1x16xf32> to vector<16xf32>
      %mul3A_361 = arith.mulf %get3A_360, %mul3A_356 : vector<16xf32>
      %swap3A_362 = arith.index_cast %add3A_305 : i32 to index
      %swap3A_363 = arith.constant 0 : index
      %swap3A_364 = tpu.vector_load %arg11[%swap3A_362, %swap3A_363] {strides = array<i32>} : memref<320x64xf32, #tpu.memory_space<vmem>>, vector<1x16xf32>,
      %swap3A_365 = vector.shape_cast %swap3A_364 : vector<1x16xf32> to vector<16xf32>
      %swap3A_366 = vector.shape_cast %mul3A_361 : vector<16xf32> to vector<1x16xf32>
      tpu.vector_store %arg11[%swap3A_362, %swap3A_363], %swap3A_366 {strides = array<i32>} : memref<320x64xf32, #tpu.memory_space<vmem>>, vector<1x16xf32>,
      %get3A_367 = arith.index_cast %add3A_305 : i32 to index
      %get3A_368 = arith.constant 16 : index
      %get3A_369 = tpu.vector_load %arg11[%get3A_367, %get3A_368] {strides = array<i32>} : memref<320x64xf32, #tpu.memory_space<vmem>>, vector<1x16xf32>,
      %get3A_370 = vector.shape_cast %get3A_369 : vector<1x16xf32> to vector<16xf32>
      %mul3A_371 = arith.mulf %get3A_370, %mul3A_356 : vector<16xf32>
      %swap3A_372 = arith.index_cast %add3A_305 : i32 to index
      %swap3A_373 = arith.constant 16 : index
      %swap3A_374 = tpu.vector_load %arg11[%swap3A_372, %swap3A_373] {strides = array<i32>} : memref<320x64xf32, #tpu.memory_space<vmem>>, vector<1x16xf32>,
      %swap3A_375 = vector.shape_cast %swap3A_374 : vector<1x16xf32> to vector<16xf32>
      %swap3A_376 = vector.shape_cast %mul3A_371 : vector<16xf32> to vector<1x16xf32>
      tpu.vector_store %arg11[%swap3A_372, %swap3A_373], %swap3A_376 {strides = array<i32>} : memref<320x64xf32, #tpu.memory_space<vmem>>, vector<1x16xf32>,
      %get3A_377 = arith.index_cast %add3A_305 : i32 to index
      %get3A_378 = arith.constant 32 : index
      %get3A_379 = tpu.vector_load %arg11[%get3A_377, %get3A_378] {strides = array<i32>} : memref<320x64xf32, #tpu.memory_space<vmem>>, vector<1x16xf32>,
      %get3A_380 = vector.shape_cast %get3A_379 : vector<1x16xf32> to vector<16xf32>
      %mul3A_381 = arith.mulf %get3A_380, %mul3A_356 : vector<16xf32>
      %swap3A_382 = arith.index_cast %add3A_305 : i32 to index
      %swap3A_383 = arith.constant 32 : index
      %swap3A_384 = tpu.vector_load %arg11[%swap3A_382, %swap3A_383] {strides = array<i32>} : memref<320x64xf32, #tpu.memory_space<vmem>>, vector<1x16xf32>,
      %swap3A_385 = vector.shape_cast %swap3A_384 : vector<1x16xf32> to vector<16xf32>
      %swap3A_386 = vector.shape_cast %mul3A_381 : vector<16xf32> to vector<1x16xf32>
      tpu.vector_store %arg11[%swap3A_382, %swap3A_383], %swap3A_386 {strides = array<i32>} : memref<320x64xf32, #tpu.memory_space<vmem>>, vector<1x16xf32>,
      %get3A_387 = arith.index_cast %add3A_305 : i32 to index
      %get3A_388 = arith.constant 48 : index
      %get3A_389 = tpu.vector_load %arg11[%get3A_387, %get3A_388] {strides = array<i32>} : memref<320x64xf32, #tpu.memory_space<vmem>>, vector<1x16xf32>,
      %get3A_390 = vector.shape_cast %get3A_389 : vector<1x16xf32> to vector<16xf32>
      %mul3A_391 = arith.mulf %get3A_390, %mul3A_356 : vector<16xf32>
      %swap3A_392 = arith.index_cast %add3A_305 : i32 to index
      %swap3A_393 = arith.constant 48 : index
      %swap3A_394 = tpu.vector_load %arg11[%swap3A_392, %swap3A_393] {strides = array<i32>} : memref<320x64xf32, #tpu.memory_space<vmem>>, vector<1x16xf32>,
      %swap3A_395 = vector.shape_cast %swap3A_394 : vector<1x16xf32> to vector<16xf32>
      %swap3A_396 = vector.shape_cast %mul3A_391 : vector<16xf32> to vector<1x16xf32>
      tpu.vector_store %arg11[%swap3A_392, %swap3A_393], %swap3A_396 {strides = array<i32>} : memref<320x64xf32, #tpu.memory_space<vmem>>, vector<1x16xf32>,
    }
    %scan3A_84 = arith.constant 160 : i32
    "tpu.region"() ({
      %run_scoped3A = tpu.sem_alloc : memref<!tpu.dma_semaphore, #tpu.memory_space<semaphore_mem>>
      %dma_start3A_212 = arith.constant 0 : i32
      %dma_start3A_213 = tpu.memref_slice %arg7[%add3A_43, %dma_start3A_212] : memref<10240x64xf32, #tpu.memory_space<hbm>> -> memref<320x64xf32, #tpu.memory_space<hbm>>
      %dma_start3A_214 = arith.constant 0 : i32
      %dma_start3A_215 = tpu.memref_slice %arg7[%add3A_43, %dma_start3A_214] : memref<10240x64xf32, #tpu.memory_space<hbm>> -> memref<320x64xf32, #tpu.memory_space<hbm>>
      tpu.enqueue_dma source(%arg11 : memref<320x64xf32, #tpu.memory_space<vmem>>) target(%dma_start3A_215 : memref<320x64xf32, #tpu.memory_space<hbm>>) target_semaphore(%run_scoped3A : memref<!tpu.dma_semaphore, #tpu.memory_space<semaphore_mem>>)
      %dma_wait3A_216 = arith.constant 0 : i32
      %dma_wait3A_217 = tpu.memref_slice %arg7[%add3A_43, %dma_wait3A_216] : memref<10240x64xf32, #tpu.memory_space<hbm>> -> memref<320x64xf32, #tpu.memory_space<hbm>>
      %dma_wait3A_218 = arith.constant 0 : i32
      %dma_wait3A_219 = tpu.memref_slice %arg7[%add3A_43, %dma_wait3A_218] : memref<10240x64xf32, #tpu.memory_space<hbm>> -> memref<320x64xf32, #tpu.memory_space<hbm>>
      tpu.wait_dma2 semaphore(%run_scoped3A : memref<!tpu.dma_semaphore, #tpu.memory_space<semaphore_mem>>) src(%arg11 : memref<320x64xf32, #tpu.memory_space<vmem>>) dst(%dma_wait3A_219 : memref<320x64xf32, #tpu.memory_space<hbm>>)
      tpu.yield
    }) : () -> ()
    %eq3A_85 = arith.constant 0 : i32
    %eq3A_86 = arith.cmpi eq, %arg0, %eq3A_85 : i32
    %convert_element_type3A_87 = arith.extui %eq3A_86 : i1 to i32
    %cond3A_88 = arith.constant 0 : i32
    %cond3A_89 = arith.cmpi ne, %convert_element_type3A_87, %cond3A_88 : i32
    scf.if %cond3A_89 {
      "tpu.region"() ({
        %run_scoped3A = tpu.sem_alloc : memref<!tpu.dma_semaphore, #tpu.memory_space<semaphore_mem>>
        %dma_start3A_212 = arith.constant 0 : i32
        %dma_start3A_213 = tpu.memref_slice %arg16[%add3A_43, %dma_start3A_212] : memref<10240x64xf32, #tpu.memory_space<vmem_shared>> -> memref<320x64xf32, #tpu.memory_space<vmem_shared>>
        %dma_start3A_214 = arith.constant 0 : i32
        %dma_start3A_215 = tpu.memref_slice %arg16[%add3A_43, %dma_start3A_214] : memref<10240x64xf32, #tpu.memory_space<vmem_shared>> -> memref<320x64xf32, #tpu.memory_space<vmem_shared>>
        tpu.enqueue_dma source(%arg11 : memref<320x64xf32, #tpu.memory_space<vmem>>) target(%dma_start3A_215 : memref<320x64xf32, #tpu.memory_space<vmem_shared>>) target_semaphore(%run_scoped3A : memref<!tpu.dma_semaphore, #tpu.memory_space<semaphore_mem>>)
        %dma_wait3A_216 = arith.constant 0 : i32
        %dma_wait3A_217 = tpu.memref_slice %arg16[%add3A_43, %dma_wait3A_216] : memref<10240x64xf32, #tpu.memory_space<vmem_shared>> -> memref<320x64xf32, #tpu.memory_space<vmem_shared>>
        %dma_wait3A_218 = arith.constant 0 : i32
        %dma_wait3A_219 = tpu.memref_slice %arg16[%add3A_43, %dma_wait3A_218] : memref<10240x64xf32, #tpu.memory_space<vmem_shared>> -> memref<320x64xf32, #tpu.memory_space<vmem_shared>>
        tpu.wait_dma2 semaphore(%run_scoped3A : memref<!tpu.dma_semaphore, #tpu.memory_space<semaphore_mem>>) src(%arg11 : memref<320x64xf32, #tpu.memory_space<vmem>>) dst(%dma_wait3A_219 : memref<320x64xf32, #tpu.memory_space<vmem_shared>>)
        tpu.yield
      }) : () -> ()
    } else {
    }
    %add3A_90 = arith.constant 320 : i32
    %add3A_91 = arith.addi %mul3A_0, %add3A_90 : i32
    %dma_start3A_92 = arith.constant 0 : i32
    %dma_start3A_93 = tpu.memref_slice %arg4[%add3A_91, %dma_start3A_92] : memref<10240x64xf32, #tpu.memory_space<hbm>> -> memref<320x64xf32, #tpu.memory_space<hbm>>
    %dma_start3A_94 = arith.constant 0 : i32
    %dma_start3A_95 = tpu.memref_slice %arg4[%add3A_91, %dma_start3A_94] : memref<10240x64xf32, #tpu.memory_space<hbm>> -> memref<320x64xf32, #tpu.memory_space<hbm>>
    tpu.enqueue_dma source(%dma_start3A_95 : memref<320x64xf32, #tpu.memory_space<hbm>>) target(%arg11 : memref<320x64xf32, #tpu.memory_space<vmem>>) target_semaphore(%arg21 : memref<!tpu.dma_semaphore, #tpu.memory_space<semaphore_mem>>)
    %dma_start3A_96 = arith.constant 0 : i32
    %dma_start3A_97 = arith.constant 0 : i32
    %dma_start3A_98 = arith.constant 0 : i32
    %dma_start3A_99 = arith.constant 0 : i32
    %dma_start3A_100 = tpu.memref_slice %arg10[%dma_start3A_97, %dma_start3A_98, %dma_start3A_99] : memref<2x320x16xf32, #tpu.memory_space<vmem>> -> memref<1x320x16xf32, #tpu.memory_space<vmem>>
    %dma_start3A_101 = tpu.memref_squeeze %dma_start3A_100 : memref<1x320x16xf32, #tpu.memory_space<vmem>> -> memref<320x16xf32, #tpu.memory_space<vmem>>
    %dma_start3A_102 = arith.constant 0 : i32
    %dma_start3A_103 = tpu.memref_slice %arg5[%dma_start3A_96, %add3A_91, %dma_start3A_102] : memref<2x10240x16xf32, #tpu.memory_space<hbm>> -> memref<1x320x16xf32, #tpu.memory_space<hbm>>
    %dma_start3A_104 = tpu.memref_squeeze %dma_start3A_103 : memref<1x320x16xf32, #tpu.memory_space<hbm>> -> memref<320x16xf32, #tpu.memory_space<hbm>>
    %dma_start3A_105 = arith.constant 0 : i32
    %dma_start3A_106 = arith.constant 0 : i32
    %dma_start3A_107 = tpu.memref_slice %arg10[%dma_start3A_97, %dma_start3A_105, %dma_start3A_106] : memref<2x320x16xf32, #tpu.memory_space<vmem>> -> memref<1x320x16xf32, #tpu.memory_space<vmem>>
    %dma_start3A_108 = tpu.memref_squeeze %dma_start3A_107 : memref<1x320x16xf32, #tpu.memory_space<vmem>> -> memref<320x16xf32, #tpu.memory_space<vmem>>
    %dma_start3A_109 = arith.constant 0 : i32
    %dma_start3A_110 = tpu.memref_slice %arg5[%dma_start3A_96, %add3A_91, %dma_start3A_109] : memref<2x10240x16xf32, #tpu.memory_space<hbm>> -> memref<1x320x16xf32, #tpu.memory_space<hbm>>
    %dma_start3A_111 = tpu.memref_squeeze %dma_start3A_110 : memref<1x320x16xf32, #tpu.memory_space<hbm>> -> memref<320x16xf32, #tpu.memory_space<hbm>>
    tpu.enqueue_dma source(%dma_start3A_111 : memref<320x16xf32, #tpu.memory_space<hbm>>) target(%dma_start3A_108 : memref<320x16xf32, #tpu.memory_space<vmem>>) target_semaphore(%arg22 : memref<!tpu.dma_semaphore, #tpu.memory_space<semaphore_mem>>)
    %dma_start3A_112 = arith.constant 1 : i32
    %dma_start3A_113 = arith.constant 1 : i32
    %dma_start3A_114 = arith.constant 0 : i32
    %dma_start3A_115 = arith.constant 0 : i32
    %dma_start3A_116 = tpu.memref_slice %arg10[%dma_start3A_113, %dma_start3A_114, %dma_start3A_115] : memref<2x320x16xf32, #tpu.memory_space<vmem>> -> memref<1x320x16xf32, #tpu.memory_space<vmem>>
    %dma_start3A_117 = tpu.memref_squeeze %dma_start3A_116 : memref<1x320x16xf32, #tpu.memory_space<vmem>> -> memref<320x16xf32, #tpu.memory_space<vmem>>
    %dma_start3A_118 = arith.constant 0 : i32
    %dma_start3A_119 = tpu.memref_slice %arg5[%dma_start3A_112, %add3A_91, %dma_start3A_118] : memref<2x10240x16xf32, #tpu.memory_space<hbm>> -> memref<1x320x16xf32, #tpu.memory_space<hbm>>
    %dma_start3A_120 = tpu.memref_squeeze %dma_start3A_119 : memref<1x320x16xf32, #tpu.memory_space<hbm>> -> memref<320x16xf32, #tpu.memory_space<hbm>>
    %dma_start3A_121 = arith.constant 0 : i32
    %dma_start3A_122 = arith.constant 0 : i32
    %dma_start3A_123 = tpu.memref_slice %arg10[%dma_start3A_113, %dma_start3A_121, %dma_start3A_122] : memref<2x320x16xf32, #tpu.memory_space<vmem>> -> memref<1x320x16xf32, #tpu.memory_space<vmem>>
    %dma_start3A_124 = tpu.memref_squeeze %dma_start3A_123 : memref<1x320x16xf32, #tpu.memory_space<vmem>> -> memref<320x16xf32, #tpu.memory_space<vmem>>
    %dma_start3A_125 = arith.constant 0 : i32
    %dma_start3A_126 = tpu.memref_slice %arg5[%dma_start3A_112, %add3A_91, %dma_start3A_125] : memref<2x10240x16xf32, #tpu.memory_space<hbm>> -> memref<1x320x16xf32, #tpu.memory_space<hbm>>
    %dma_start3A_127 = tpu.memref_squeeze %dma_start3A_126 : memref<1x320x16xf32, #tpu.memory_space<hbm>> -> memref<320x16xf32, #tpu.memory_space<hbm>>
    tpu.enqueue_dma source(%dma_start3A_127 : memref<320x16xf32, #tpu.memory_space<hbm>>) target(%dma_start3A_124 : memref<320x16xf32, #tpu.memory_space<vmem>>) target_semaphore(%arg23 : memref<!tpu.dma_semaphore, #tpu.memory_space<semaphore_mem>>)
    %add3A_128 = arith.constant 320 : i32
    %add3A_129 = arith.addi %mul3A_0, %add3A_128 : i32
    %dma_wait3A_130 = arith.constant 0 : i32
    %dma_wait3A_131 = tpu.memref_slice %arg4[%add3A_129, %dma_wait3A_130] : memref<10240x64xf32, #tpu.memory_space<hbm>> -> memref<320x64xf32, #tpu.memory_space<hbm>>
    %dma_wait3A_132 = arith.constant 0 : i32
    %dma_wait3A_133 = tpu.memref_slice %arg4[%add3A_129, %dma_wait3A_132] : memref<10240x64xf32, #tpu.memory_space<hbm>> -> memref<320x64xf32, #tpu.memory_space<hbm>>
    tpu.wait_dma2 semaphore(%arg21 : memref<!tpu.dma_semaphore, #tpu.memory_space<semaphore_mem>>) src(%dma_wait3A_133 : memref<320x64xf32, #tpu.memory_space<hbm>>) dst(%arg11 : memref<320x64xf32, #tpu.memory_space<vmem>>)
    %dma_wait3A_134 = arith.constant 0 : i32
    %dma_wait3A_135 = arith.constant 0 : i32
    %dma_wait3A_136 = arith.constant 0 : i32
    %dma_wait3A_137 = arith.constant 0 : i32
    %dma_wait3A_138 = tpu.memref_slice %arg10[%dma_wait3A_135, %dma_wait3A_136, %dma_wait3A_137] : memref<2x320x16xf32, #tpu.memory_space<vmem>> -> memref<1x320x16xf32, #tpu.memory_space<vmem>>
    %dma_wait3A_139 = tpu.memref_squeeze %dma_wait3A_138 : memref<1x320x16xf32, #tpu.memory_space<vmem>> -> memref<320x16xf32, #tpu.memory_space<vmem>>
    %dma_wait3A_140 = arith.constant 0 : i32
    %dma_wait3A_141 = tpu.memref_slice %arg5[%dma_wait3A_134, %add3A_129, %dma_wait3A_140] : memref<2x10240x16xf32, #tpu.memory_space<hbm>> -> memref<1x320x16xf32, #tpu.memory_space<hbm>>
    %dma_wait3A_142 = tpu.memref_squeeze %dma_wait3A_141 : memref<1x320x16xf32, #tpu.memory_space<hbm>> -> memref<320x16xf32, #tpu.memory_space<hbm>>
    %dma_wait3A_143 = arith.constant 0 : i32
    %dma_wait3A_144 = arith.constant 0 : i32
    %dma_wait3A_145 = tpu.memref_slice %arg10[%dma_wait3A_135, %dma_wait3A_143, %dma_wait3A_144] : memref<2x320x16xf32, #tpu.memory_space<vmem>> -> memref<1x320x16xf32, #tpu.memory_space<vmem>>
    %dma_wait3A_146 = tpu.memref_squeeze %dma_wait3A_145 : memref<1x320x16xf32, #tpu.memory_space<vmem>> -> memref<320x16xf32, #tpu.memory_space<vmem>>
    %dma_wait3A_147 = arith.constant 0 : i32
    %dma_wait3A_148 = tpu.memref_slice %arg5[%dma_wait3A_134, %add3A_129, %dma_wait3A_147] : memref<2x10240x16xf32, #tpu.memory_space<hbm>> -> memref<1x320x16xf32, #tpu.memory_space<hbm>>
    %dma_wait3A_149 = tpu.memref_squeeze %dma_wait3A_148 : memref<1x320x16xf32, #tpu.memory_space<hbm>> -> memref<320x16xf32, #tpu.memory_space<hbm>>
    tpu.wait_dma2 semaphore(%arg22 : memref<!tpu.dma_semaphore, #tpu.memory_space<semaphore_mem>>) src(%dma_wait3A_149 : memref<320x16xf32, #tpu.memory_space<hbm>>) dst(%dma_wait3A_146 : memref<320x16xf32, #tpu.memory_space<vmem>>)
    %dma_wait3A_150 = arith.constant 1 : i32
    %dma_wait3A_151 = arith.constant 1 : i32
    %dma_wait3A_152 = arith.constant 0 : i32
    %dma_wait3A_153 = arith.constant 0 : i32
    %dma_wait3A_154 = tpu.memref_slice %arg10[%dma_wait3A_151, %dma_wait3A_152, %dma_wait3A_153] : memref<2x320x16xf32, #tpu.memory_space<vmem>> -> memref<1x320x16xf32, #tpu.memory_space<vmem>>
    %dma_wait3A_155 = tpu.memref_squeeze %dma_wait3A_154 : memref<1x320x16xf32, #tpu.memory_space<vmem>> -> memref<320x16xf32, #tpu.memory_space<vmem>>
    %dma_wait3A_156 = arith.constant 0 : i32
    %dma_wait3A_157 = tpu.memref_slice %arg5[%dma_wait3A_150, %add3A_129, %dma_wait3A_156] : memref<2x10240x16xf32, #tpu.memory_space<hbm>> -> memref<1x320x16xf32, #tpu.memory_space<hbm>>
    %dma_wait3A_158 = tpu.memref_squeeze %dma_wait3A_157 : memref<1x320x16xf32, #tpu.memory_space<hbm>> -> memref<320x16xf32, #tpu.memory_space<hbm>>
    %dma_wait3A_159 = arith.constant 0 : i32
    %dma_wait3A_160 = arith.constant 0 : i32
    %dma_wait3A_161 = tpu.memref_slice %arg10[%dma_wait3A_151, %dma_wait3A_159, %dma_wait3A_160] : memref<2x320x16xf32, #tpu.memory_space<vmem>> -> memref<1x320x16xf32, #tpu.memory_space<vmem>>
    %dma_wait3A_162 = tpu.memref_squeeze %dma_wait3A_161 : memref<1x320x16xf32, #tpu.memory_space<vmem>> -> memref<320x16xf32, #tpu.memory_space<vmem>>
    %dma_wait3A_163 = arith.constant 0 : i32
    %dma_wait3A_164 = tpu.memref_slice %arg5[%dma_wait3A_150, %add3A_129, %dma_wait3A_163] : memref<2x10240x16xf32, #tpu.memory_space<hbm>> -> memref<1x320x16xf32, #tpu.memory_space<hbm>>
    %dma_wait3A_165 = tpu.memref_squeeze %dma_wait3A_164 : memref<1x320x16xf32, #tpu.memory_space<hbm>> -> memref<320x16xf32, #tpu.memory_space<hbm>>
    tpu.wait_dma2 semaphore(%arg23 : memref<!tpu.dma_semaphore, #tpu.memory_space<semaphore_mem>>) src(%dma_wait3A_165 : memref<320x16xf32, #tpu.memory_space<hbm>>) dst(%dma_wait3A_162 : memref<320x16xf32, #tpu.memory_space<vmem>>)
    %scan3A_166 = arith.constant 0 : i32
    %scan3A_167 = arith.constant 0 : i32
    %scan3A_168 = arith.constant 160 : i32
    %scan3A_169 = arith.addi %scan3A_167, %scan3A_168 : i32
    %scan3A_170 = arith.constant 1 : i32
    scf.for %scan3A_212 = %scan3A_167 to %scan3A_169 step %scan3A_170  : i32 {
      %mul3A_213 = arith.constant 2 : i32
      %mul3A_214 = arith.muli %mul3A_213, %scan3A_212 : i32
      %add3A_215 = arith.constant 0 : i32
      %add3A_216 = arith.addi %mul3A_214, %add3A_215 : i32
      %get3A = arith.constant 0 : i32
      %get3A_217 = arith.index_cast %get3A : i32 to index
      %get3A_218 = arith.index_cast %add3A_216 : i32 to index
      %get3A_219 = arith.constant 0 : index
      %get3A_220 = tpu.vector_load %arg10[%get3A_217, %get3A_218, %get3A_219] {strides = array<i32>} : memref<2x320x16xf32, #tpu.memory_space<vmem>>, vector<1x1x16xf32>,
      %get3A_221 = vector.shape_cast %get3A_220 : vector<1x1x16xf32> to vector<16xf32>
      %get3A_222 = arith.constant 1 : i32
      %get3A_223 = arith.index_cast %get3A_222 : i32 to index
      %get3A_224 = arith.index_cast %add3A_216 : i32 to index
      %get3A_225 = arith.constant 0 : index
      %get3A_226 = tpu.vector_load %arg10[%get3A_223, %get3A_224, %get3A_225] {strides = array<i32>} : memref<2x320x16xf32, #tpu.memory_space<vmem>>, vector<1x1x16xf32>,
      %get3A_227 = vector.shape_cast %get3A_226 : vector<1x1x16xf32> to vector<16xf32>
      %add3A_228 = arith.addf %get3A_221, %get3A_227 : vector<16xf32>
      %add3A_229 = arith.constant 1.000000e+00 : f32
      %add3A_230 = vector.broadcast %add3A_229 : f32 to vector<16xf32>
      %add3A_231 = arith.addf %add3A_228, %add3A_230 : vector<16xf32>
      %bitcast_convert_type3A = tpu.bitcast %add3A_231 : vector<16xf32> -> vector<16xi32>
      %broadcast_in_dim3A = arith.constant 1597463007 : i32
      %broadcast_in_dim3A_232 = vector.broadcast %broadcast_in_dim3A : i32 to vector<16xi32>
      %shift_right_arithmetic3A = arith.constant 1 : i32
      %shift_right_arithmetic3A_233 = vector.broadcast %shift_right_arithmetic3A : i32 to vector<16xi32>
      %shift_right_arithmetic3A_234 = arith.shrsi %bitcast_convert_type3A, %shift_right_arithmetic3A_233 : vector<16xi32>
      %sub3A = arith.subi %broadcast_in_dim3A_232, %shift_right_arithmetic3A_234 : vector<16xi32>
      %bitcast_convert_type3A_235 = tpu.bitcast %sub3A : vector<16xi32> -> vector<16xf32>
      %mul3A_236 = arith.constant 5.000000e-01 : f32
      %mul3A_237 = vector.broadcast %mul3A_236 : f32 to vector<16xf32>
      %mul3A_238 = arith.mulf %mul3A_237, %add3A_231 : vector<16xf32>
      %mul3A_239 = arith.mulf %mul3A_238, %bitcast_convert_type3A_235 : vector<16xf32>
      %mul3A_240 = arith.mulf %mul3A_239, %bitcast_convert_type3A_235 : vector<16xf32>
      %sub3A_241 = arith.constant 1.500000e+00 : f32
      %sub3A_242 = vector.broadcast %sub3A_241 : f32 to vector<16xf32>
      %sub3A_243 = arith.subf %sub3A_242, %mul3A_240 : vector<16xf32>
      %mul3A_244 = arith.mulf %bitcast_convert_type3A_235, %sub3A_243 : vector<16xf32>
      %mul3A_245 = arith.constant 5.000000e-01 : f32
      %mul3A_246 = vector.broadcast %mul3A_245 : f32 to vector<16xf32>
      %mul3A_247 = arith.mulf %mul3A_246, %add3A_231 : vector<16xf32>
      %mul3A_248 = arith.mulf %mul3A_247, %mul3A_244 : vector<16xf32>
      %mul3A_249 = arith.mulf %mul3A_248, %mul3A_244 : vector<16xf32>
      %sub3A_250 = arith.constant 1.500000e+00 : f32
      %sub3A_251 = vector.broadcast %sub3A_250 : f32 to vector<16xf32>
      %sub3A_252 = arith.subf %sub3A_251, %mul3A_249 : vector<16xf32>
      %mul3A_253 = arith.mulf %mul3A_244, %sub3A_252 : vector<16xf32>
      %mul3A_254 = arith.constant 5.000000e-01 : f32
      %mul3A_255 = vector.broadcast %mul3A_254 : f32 to vector<16xf32>
      %mul3A_256 = arith.mulf %mul3A_255, %add3A_231 : vector<16xf32>
      %mul3A_257 = arith.mulf %mul3A_256, %mul3A_253 : vector<16xf32>
      %mul3A_258 = arith.mulf %mul3A_257, %mul3A_253 : vector<16xf32>
      %sub3A_259 = arith.constant 1.500000e+00 : f32
      %sub3A_260 = vector.broadcast %sub3A_259 : f32 to vector<16xf32>
      %sub3A_261 = arith.subf %sub3A_260, %mul3A_258 : vector<16xf32>
      %mul3A_262 = arith.mulf %mul3A_253, %sub3A_261 : vector<16xf32>
      %get3A_263 = arith.index_cast %add3A_216 : i32 to index
      %get3A_264 = arith.constant 0 : index
      %get3A_265 = tpu.vector_load %arg11[%get3A_263, %get3A_264] {strides = array<i32>} : memref<320x64xf32, #tpu.memory_space<vmem>>, vector<1x16xf32>,
      %get3A_266 = vector.shape_cast %get3A_265 : vector<1x16xf32> to vector<16xf32>
      %mul3A_267 = arith.mulf %get3A_266, %mul3A_262 : vector<16xf32>
      %swap3A = arith.index_cast %add3A_216 : i32 to index
      %swap3A_268 = arith.constant 0 : index
      %swap3A_269 = tpu.vector_load %arg11[%swap3A, %swap3A_268] {strides = array<i32>} : memref<320x64xf32, #tpu.memory_space<vmem>>, vector<1x16xf32>,
      %swap3A_270 = vector.shape_cast %swap3A_269 : vector<1x16xf32> to vector<16xf32>
      %swap3A_271 = vector.shape_cast %mul3A_267 : vector<16xf32> to vector<1x16xf32>
      tpu.vector_store %arg11[%swap3A, %swap3A_268], %swap3A_271 {strides = array<i32>} : memref<320x64xf32, #tpu.memory_space<vmem>>, vector<1x16xf32>,
      %get3A_272 = arith.index_cast %add3A_216 : i32 to index
      %get3A_273 = arith.constant 16 : index
      %get3A_274 = tpu.vector_load %arg11[%get3A_272, %get3A_273] {strides = array<i32>} : memref<320x64xf32, #tpu.memory_space<vmem>>, vector<1x16xf32>,
      %get3A_275 = vector.shape_cast %get3A_274 : vector<1x16xf32> to vector<16xf32>
      %mul3A_276 = arith.mulf %get3A_275, %mul3A_262 : vector<16xf32>
      %swap3A_277 = arith.index_cast %add3A_216 : i32 to index
      %swap3A_278 = arith.constant 16 : index
      %swap3A_279 = tpu.vector_load %arg11[%swap3A_277, %swap3A_278] {strides = array<i32>} : memref<320x64xf32, #tpu.memory_space<vmem>>, vector<1x16xf32>,
      %swap3A_280 = vector.shape_cast %swap3A_279 : vector<1x16xf32> to vector<16xf32>
      %swap3A_281 = vector.shape_cast %mul3A_276 : vector<16xf32> to vector<1x16xf32>
      tpu.vector_store %arg11[%swap3A_277, %swap3A_278], %swap3A_281 {strides = array<i32>} : memref<320x64xf32, #tpu.memory_space<vmem>>, vector<1x16xf32>,
      %get3A_282 = arith.index_cast %add3A_216 : i32 to index
      %get3A_283 = arith.constant 32 : index
      %get3A_284 = tpu.vector_load %arg11[%get3A_282, %get3A_283] {strides = array<i32>} : memref<320x64xf32, #tpu.memory_space<vmem>>, vector<1x16xf32>,
      %get3A_285 = vector.shape_cast %get3A_284 : vector<1x16xf32> to vector<16xf32>
      %mul3A_286 = arith.mulf %get3A_285, %mul3A_262 : vector<16xf32>
      %swap3A_287 = arith.index_cast %add3A_216 : i32 to index
      %swap3A_288 = arith.constant 32 : index
      %swap3A_289 = tpu.vector_load %arg11[%swap3A_287, %swap3A_288] {strides = array<i32>} : memref<320x64xf32, #tpu.memory_space<vmem>>, vector<1x16xf32>,
      %swap3A_290 = vector.shape_cast %swap3A_289 : vector<1x16xf32> to vector<16xf32>
      %swap3A_291 = vector.shape_cast %mul3A_286 : vector<16xf32> to vector<1x16xf32>
      tpu.vector_store %arg11[%swap3A_287, %swap3A_288], %swap3A_291 {strides = array<i32>} : memref<320x64xf32, #tpu.memory_space<vmem>>, vector<1x16xf32>,
      %get3A_292 = arith.index_cast %add3A_216 : i32 to index
      %get3A_293 = arith.constant 48 : index
      %get3A_294 = tpu.vector_load %arg11[%get3A_292, %get3A_293] {strides = array<i32>} : memref<320x64xf32, #tpu.memory_space<vmem>>, vector<1x16xf32>,
      %get3A_295 = vector.shape_cast %get3A_294 : vector<1x16xf32> to vector<16xf32>
      %mul3A_296 = arith.mulf %get3A_295, %mul3A_262 : vector<16xf32>
      %swap3A_297 = arith.index_cast %add3A_216 : i32 to index
      %swap3A_298 = arith.constant 48 : index
      %swap3A_299 = tpu.vector_load %arg11[%swap3A_297, %swap3A_298] {strides = array<i32>} : memref<320x64xf32, #tpu.memory_space<vmem>>, vector<1x16xf32>,
      %swap3A_300 = vector.shape_cast %swap3A_299 : vector<1x16xf32> to vector<16xf32>
      %swap3A_301 = vector.shape_cast %mul3A_296 : vector<16xf32> to vector<1x16xf32>
      tpu.vector_store %arg11[%swap3A_297, %swap3A_298], %swap3A_301 {strides = array<i32>} : memref<320x64xf32, #tpu.memory_space<vmem>>, vector<1x16xf32>,
      %mul3A_302 = arith.constant 2 : i32
      %mul3A_303 = arith.muli %mul3A_302, %scan3A_212 : i32
      %add3A_304 = arith.constant 1 : i32
      %add3A_305 = arith.addi %mul3A_303, %add3A_304 : i32
      %get3A_306 = arith.constant 0 : i32
      %get3A_307 = arith.index_cast %get3A_306 : i32 to index
      %get3A_308 = arith.index_cast %add3A_305 : i32 to index
      %get3A_309 = arith.constant 0 : index
      %get3A_310 = tpu.vector_load %arg10[%get3A_307, %get3A_308, %get3A_309] {strides = array<i32>} : memref<2x320x16xf32, #tpu.memory_space<vmem>>, vector<1x1x16xf32>,
      %get3A_311 = vector.shape_cast %get3A_310 : vector<1x1x16xf32> to vector<16xf32>
      %get3A_312 = arith.constant 1 : i32
      %get3A_313 = arith.index_cast %get3A_312 : i32 to index
      %get3A_314 = arith.index_cast %add3A_305 : i32 to index
      %get3A_315 = arith.constant 0 : index
      %get3A_316 = tpu.vector_load %arg10[%get3A_313, %get3A_314, %get3A_315] {strides = array<i32>} : memref<2x320x16xf32, #tpu.memory_space<vmem>>, vector<1x1x16xf32>,
      %get3A_317 = vector.shape_cast %get3A_316 : vector<1x1x16xf32> to vector<16xf32>
      %add3A_318 = arith.addf %get3A_311, %get3A_317 : vector<16xf32>
      %add3A_319 = arith.constant 1.000000e+00 : f32
      %add3A_320 = vector.broadcast %add3A_319 : f32 to vector<16xf32>
      %add3A_321 = arith.addf %add3A_318, %add3A_320 : vector<16xf32>
      %bitcast_convert_type3A_322 = tpu.bitcast %add3A_321 : vector<16xf32> -> vector<16xi32>
      %broadcast_in_dim3A_323 = arith.constant 1597463007 : i32
      %broadcast_in_dim3A_324 = vector.broadcast %broadcast_in_dim3A_323 : i32 to vector<16xi32>
      %shift_right_arithmetic3A_325 = arith.constant 1 : i32
      %shift_right_arithmetic3A_326 = vector.broadcast %shift_right_arithmetic3A_325 : i32 to vector<16xi32>
      %shift_right_arithmetic3A_327 = arith.shrsi %bitcast_convert_type3A_322, %shift_right_arithmetic3A_326 : vector<16xi32>
      %sub3A_328 = arith.subi %broadcast_in_dim3A_324, %shift_right_arithmetic3A_327 : vector<16xi32>
      %bitcast_convert_type3A_329 = tpu.bitcast %sub3A_328 : vector<16xi32> -> vector<16xf32>
      %mul3A_330 = arith.constant 5.000000e-01 : f32
      %mul3A_331 = vector.broadcast %mul3A_330 : f32 to vector<16xf32>
      %mul3A_332 = arith.mulf %mul3A_331, %add3A_321 : vector<16xf32>
      %mul3A_333 = arith.mulf %mul3A_332, %bitcast_convert_type3A_329 : vector<16xf32>
      %mul3A_334 = arith.mulf %mul3A_333, %bitcast_convert_type3A_329 : vector<16xf32>
      %sub3A_335 = arith.constant 1.500000e+00 : f32
      %sub3A_336 = vector.broadcast %sub3A_335 : f32 to vector<16xf32>
      %sub3A_337 = arith.subf %sub3A_336, %mul3A_334 : vector<16xf32>
      %mul3A_338 = arith.mulf %bitcast_convert_type3A_329, %sub3A_337 : vector<16xf32>
      %mul3A_339 = arith.constant 5.000000e-01 : f32
      %mul3A_340 = vector.broadcast %mul3A_339 : f32 to vector<16xf32>
      %mul3A_341 = arith.mulf %mul3A_340, %add3A_321 : vector<16xf32>
      %mul3A_342 = arith.mulf %mul3A_341, %mul3A_338 : vector<16xf32>
      %mul3A_343 = arith.mulf %mul3A_342, %mul3A_338 : vector<16xf32>
      %sub3A_344 = arith.constant 1.500000e+00 : f32
      %sub3A_345 = vector.broadcast %sub3A_344 : f32 to vector<16xf32>
      %sub3A_346 = arith.subf %sub3A_345, %mul3A_343 : vector<16xf32>
      %mul3A_347 = arith.mulf %mul3A_338, %sub3A_346 : vector<16xf32>
      %mul3A_348 = arith.constant 5.000000e-01 : f32
      %mul3A_349 = vector.broadcast %mul3A_348 : f32 to vector<16xf32>
      %mul3A_350 = arith.mulf %mul3A_349, %add3A_321 : vector<16xf32>
      %mul3A_351 = arith.mulf %mul3A_350, %mul3A_347 : vector<16xf32>
      %mul3A_352 = arith.mulf %mul3A_351, %mul3A_347 : vector<16xf32>
      %sub3A_353 = arith.constant 1.500000e+00 : f32
      %sub3A_354 = vector.broadcast %sub3A_353 : f32 to vector<16xf32>
      %sub3A_355 = arith.subf %sub3A_354, %mul3A_352 : vector<16xf32>
      %mul3A_356 = arith.mulf %mul3A_347, %sub3A_355 : vector<16xf32>
      %get3A_357 = arith.index_cast %add3A_305 : i32 to index
      %get3A_358 = arith.constant 0 : index
      %get3A_359 = tpu.vector_load %arg11[%get3A_357, %get3A_358] {strides = array<i32>} : memref<320x64xf32, #tpu.memory_space<vmem>>, vector<1x16xf32>,
      %get3A_360 = vector.shape_cast %get3A_359 : vector<1x16xf32> to vector<16xf32>
      %mul3A_361 = arith.mulf %get3A_360, %mul3A_356 : vector<16xf32>
      %swap3A_362 = arith.index_cast %add3A_305 : i32 to index
      %swap3A_363 = arith.constant 0 : index
      %swap3A_364 = tpu.vector_load %arg11[%swap3A_362, %swap3A_363] {strides = array<i32>} : memref<320x64xf32, #tpu.memory_space<vmem>>, vector<1x16xf32>,
      %swap3A_365 = vector.shape_cast %swap3A_364 : vector<1x16xf32> to vector<16xf32>
      %swap3A_366 = vector.shape_cast %mul3A_361 : vector<16xf32> to vector<1x16xf32>
      tpu.vector_store %arg11[%swap3A_362, %swap3A_363], %swap3A_366 {strides = array<i32>} : memref<320x64xf32, #tpu.memory_space<vmem>>, vector<1x16xf32>,
      %get3A_367 = arith.index_cast %add3A_305 : i32 to index
      %get3A_368 = arith.constant 16 : index
      %get3A_369 = tpu.vector_load %arg11[%get3A_367, %get3A_368] {strides = array<i32>} : memref<320x64xf32, #tpu.memory_space<vmem>>, vector<1x16xf32>,
      %get3A_370 = vector.shape_cast %get3A_369 : vector<1x16xf32> to vector<16xf32>
      %mul3A_371 = arith.mulf %get3A_370, %mul3A_356 : vector<16xf32>
      %swap3A_372 = arith.index_cast %add3A_305 : i32 to index
      %swap3A_373 = arith.constant 16 : index
      %swap3A_374 = tpu.vector_load %arg11[%swap3A_372, %swap3A_373] {strides = array<i32>} : memref<320x64xf32, #tpu.memory_space<vmem>>, vector<1x16xf32>,
      %swap3A_375 = vector.shape_cast %swap3A_374 : vector<1x16xf32> to vector<16xf32>
      %swap3A_376 = vector.shape_cast %mul3A_371 : vector<16xf32> to vector<1x16xf32>
      tpu.vector_store %arg11[%swap3A_372, %swap3A_373], %swap3A_376 {strides = array<i32>} : memref<320x64xf32, #tpu.memory_space<vmem>>, vector<1x16xf32>,
      %get3A_377 = arith.index_cast %add3A_305 : i32 to index
      %get3A_378 = arith.constant 32 : index
      %get3A_379 = tpu.vector_load %arg11[%get3A_377, %get3A_378] {strides = array<i32>} : memref<320x64xf32, #tpu.memory_space<vmem>>, vector<1x16xf32>,
      %get3A_380 = vector.shape_cast %get3A_379 : vector<1x16xf32> to vector<16xf32>
      %mul3A_381 = arith.mulf %get3A_380, %mul3A_356 : vector<16xf32>
      %swap3A_382 = arith.index_cast %add3A_305 : i32 to index
      %swap3A_383 = arith.constant 32 : index
      %swap3A_384 = tpu.vector_load %arg11[%swap3A_382, %swap3A_383] {strides = array<i32>} : memref<320x64xf32, #tpu.memory_space<vmem>>, vector<1x16xf32>,
      %swap3A_385 = vector.shape_cast %swap3A_384 : vector<1x16xf32> to vector<16xf32>
      %swap3A_386 = vector.shape_cast %mul3A_381 : vector<16xf32> to vector<1x16xf32>
      tpu.vector_store %arg11[%swap3A_382, %swap3A_383], %swap3A_386 {strides = array<i32>} : memref<320x64xf32, #tpu.memory_space<vmem>>, vector<1x16xf32>,
      %get3A_387 = arith.index_cast %add3A_305 : i32 to index
      %get3A_388 = arith.constant 48 : index
      %get3A_389 = tpu.vector_load %arg11[%get3A_387, %get3A_388] {strides = array<i32>} : memref<320x64xf32, #tpu.memory_space<vmem>>, vector<1x16xf32>,
      %get3A_390 = vector.shape_cast %get3A_389 : vector<1x16xf32> to vector<16xf32>
      %mul3A_391 = arith.mulf %get3A_390, %mul3A_356 : vector<16xf32>
      %swap3A_392 = arith.index_cast %add3A_305 : i32 to index
      %swap3A_393 = arith.constant 48 : index
      %swap3A_394 = tpu.vector_load %arg11[%swap3A_392, %swap3A_393] {strides = array<i32>} : memref<320x64xf32, #tpu.memory_space<vmem>>, vector<1x16xf32>,
      %swap3A_395 = vector.shape_cast %swap3A_394 : vector<1x16xf32> to vector<16xf32>
      %swap3A_396 = vector.shape_cast %mul3A_391 : vector<16xf32> to vector<1x16xf32>
      tpu.vector_store %arg11[%swap3A_392, %swap3A_393], %swap3A_396 {strides = array<i32>} : memref<320x64xf32, #tpu.memory_space<vmem>>, vector<1x16xf32>,
    }
    %scan3A_171 = arith.constant 160 : i32
    "tpu.region"() ({
      %run_scoped3A = tpu.sem_alloc : memref<!tpu.dma_semaphore, #tpu.memory_space<semaphore_mem>>
      %dma_start3A_212 = arith.constant 0 : i32
      %dma_start3A_213 = tpu.memref_slice %arg7[%add3A_129, %dma_start3A_212] : memref<10240x64xf32, #tpu.memory_space<hbm>> -> memref<320x64xf32, #tpu.memory_space<hbm>>
      %dma_start3A_214 = arith.constant 0 : i32
      %dma_start3A_215 = tpu.memref_slice %arg7[%add3A_129, %dma_start3A_214] : memref<10240x64xf32, #tpu.memory_space<hbm>> -> memref<320x64xf32, #tpu.memory_space<hbm>>
      tpu.enqueue_dma source(%arg11 : memref<320x64xf32, #tpu.memory_space<vmem>>) target(%dma_start3A_215 : memref<320x64xf32, #tpu.memory_space<hbm>>) target_semaphore(%run_scoped3A : memref<!tpu.dma_semaphore, #tpu.memory_space<semaphore_mem>>)
      %dma_wait3A_216 = arith.constant 0 : i32
      %dma_wait3A_217 = tpu.memref_slice %arg7[%add3A_129, %dma_wait3A_216] : memref<10240x64xf32, #tpu.memory_space<hbm>> -> memref<320x64xf32, #tpu.memory_space<hbm>>
      %dma_wait3A_218 = arith.constant 0 : i32
      %dma_wait3A_219 = tpu.memref_slice %arg7[%add3A_129, %dma_wait3A_218] : memref<10240x64xf32, #tpu.memory_space<hbm>> -> memref<320x64xf32, #tpu.memory_space<hbm>>
      tpu.wait_dma2 semaphore(%run_scoped3A : memref<!tpu.dma_semaphore, #tpu.memory_space<semaphore_mem>>) src(%arg11 : memref<320x64xf32, #tpu.memory_space<vmem>>) dst(%dma_wait3A_219 : memref<320x64xf32, #tpu.memory_space<hbm>>)
      tpu.yield
    }) : () -> ()
    %eq3A_172 = arith.constant 0 : i32
    %eq3A_173 = arith.cmpi eq, %arg0, %eq3A_172 : i32
    %convert_element_type3A_174 = arith.extui %eq3A_173 : i1 to i32
    %cond3A_175 = arith.constant 0 : i32
    %cond3A_176 = arith.cmpi ne, %convert_element_type3A_174, %cond3A_175 : i32
    scf.if %cond3A_176 {
      "tpu.region"() ({
        %run_scoped3A = tpu.sem_alloc : memref<!tpu.dma_semaphore, #tpu.memory_space<semaphore_mem>>
        %dma_start3A_212 = arith.constant 0 : i32
        %dma_start3A_213 = tpu.memref_slice %arg16[%add3A_129, %dma_start3A_212] : memref<10240x64xf32, #tpu.memory_space<vmem_shared>> -> memref<320x64xf32, #tpu.memory_space<vmem_shared>>
        %dma_start3A_214 = arith.constant 0 : i32
        %dma_start3A_215 = tpu.memref_slice %arg16[%add3A_129, %dma_start3A_214] : memref<10240x64xf32, #tpu.memory_space<vmem_shared>> -> memref<320x64xf32, #tpu.memory_space<vmem_shared>>
        tpu.enqueue_dma source(%arg11 : memref<320x64xf32, #tpu.memory_space<vmem>>) target(%dma_start3A_215 : memref<320x64xf32, #tpu.memory_space<vmem_shared>>) target_semaphore(%run_scoped3A : memref<!tpu.dma_semaphore, #tpu.memory_space<semaphore_mem>>)
        %dma_wait3A_216 = arith.constant 0 : i32
        %dma_wait3A_217 = tpu.memref_slice %arg16[%add3A_129, %dma_wait3A_216] : memref<10240x64xf32, #tpu.memory_space<vmem_shared>> -> memref<320x64xf32, #tpu.memory_space<vmem_shared>>
        %dma_wait3A_218 = arith.constant 0 : i32
        %dma_wait3A_219 = tpu.memref_slice %arg16[%add3A_129, %dma_wait3A_218] : memref<10240x64xf32, #tpu.memory_space<vmem_shared>> -> memref<320x64xf32, #tpu.memory_space<vmem_shared>>
        tpu.wait_dma2 semaphore(%run_scoped3A : memref<!tpu.dma_semaphore, #tpu.memory_space<semaphore_mem>>) src(%arg11 : memref<320x64xf32, #tpu.memory_space<vmem>>) dst(%dma_wait3A_219 : memref<320x64xf32, #tpu.memory_space<vmem_shared>>)
        tpu.yield
      }) : () -> ()
    } else {
    }
    %barrier3A = arith.constant 0 : index
    tpu.barrier barrier_id(%barrier3A)
    %dma_start3A_177 = arith.constant 0 : i32
    %dma_start3A_178 = arith.constant 0 : i32
    %dma_start3A_179 = tpu.memref_slice %arg8[%dma_start3A_177, %dma_start3A_178] : memref<80x125xi32, #tpu.memory_space<vmem>> -> memref<1x125xi32, #tpu.memory_space<vmem>>
    %dma_start3A_180 = tpu.memref_squeeze %dma_start3A_179 : memref<1x125xi32, #tpu.memory_space<vmem>> -> memref<125xi32, #tpu.memory_space<vmem>>
    %dma_start3A_181 = arith.constant 0 : i32
    %dma_start3A_182 = arith.constant 0 : i32
    %dma_start3A_183 = tpu.memref_slice %arg7[%dma_start3A_181, %dma_start3A_182] : memref<10240x64xf32, #tpu.memory_space<hbm>> -> memref<10240x64xf32, #tpu.memory_space<hbm>>
    tpu.enqueue_indirect_dma source(%dma_start3A_183 : memref<10240x64xf32, #tpu.memory_space<hbm>>) target(%arg12 : memref<125x64xf32, #tpu.memory_space<vmem>>) offsets(%dma_start3A_180 : memref<125xi32, #tpu.memory_space<vmem>>) semaphore(%arg17 : memref<!tpu.dma_semaphore, #tpu.memory_space<semaphore_mem>>)
    %dma_start3A_184 = arith.constant 1 : i32
    %dma_start3A_185 = arith.constant 0 : i32
    %dma_start3A_186 = tpu.memref_slice %arg8[%dma_start3A_184, %dma_start3A_185] : memref<80x125xi32, #tpu.memory_space<vmem>> -> memref<1x125xi32, #tpu.memory_space<vmem>>
    %dma_start3A_187 = tpu.memref_squeeze %dma_start3A_186 : memref<1x125xi32, #tpu.memory_space<vmem>> -> memref<125xi32, #tpu.memory_space<vmem>>
    %dma_start3A_188 = arith.constant 0 : i32
    %dma_start3A_189 = arith.constant 0 : i32
    %dma_start3A_190 = tpu.memref_slice %arg7[%dma_start3A_188, %dma_start3A_189] : memref<10240x64xf32, #tpu.memory_space<hbm>> -> memref<10240x64xf32, #tpu.memory_space<hbm>>
    tpu.enqueue_indirect_dma source(%dma_start3A_190 : memref<10240x64xf32, #tpu.memory_space<hbm>>) target(%arg13 : memref<125x64xf32, #tpu.memory_space<vmem>>) offsets(%dma_start3A_187 : memref<125xi32, #tpu.memory_space<vmem>>) semaphore(%arg18 : memref<!tpu.dma_semaphore, #tpu.memory_space<semaphore_mem>>)
    %dma_start3A_191 = arith.constant 2 : i32
    %dma_start3A_192 = arith.constant 0 : i32
    %dma_start3A_193 = tpu.memref_slice %arg8[%dma_start3A_191, %dma_start3A_192] : memref<80x125xi32, #tpu.memory_space<vmem>> -> memref<1x125xi32, #tpu.memory_space<vmem>>
    %dma_start3A_194 = tpu.memref_squeeze %dma_start3A_193 : memref<1x125xi32, #tpu.memory_space<vmem>> -> memref<125xi32, #tpu.memory_space<vmem>>
    %dma_start3A_195 = arith.constant 0 : i32
    %dma_start3A_196 = arith.constant 0 : i32
    %dma_start3A_197 = tpu.memref_slice %arg7[%dma_start3A_195, %dma_start3A_196] : memref<10240x64xf32, #tpu.memory_space<hbm>> -> memref<10240x64xf32, #tpu.memory_space<hbm>>
    tpu.enqueue_indirect_dma source(%dma_start3A_197 : memref<10240x64xf32, #tpu.memory_space<hbm>>) target(%arg14 : memref<125x64xf32, #tpu.memory_space<vmem>>) offsets(%dma_start3A_194 : memref<125xi32, #tpu.memory_space<vmem>>) semaphore(%arg19 : memref<!tpu.dma_semaphore, #tpu.memory_space<semaphore_mem>>)
    %dma_start3A_198 = arith.constant 3 : i32
    %dma_start3A_199 = arith.constant 0 : i32
    %dma_start3A_200 = tpu.memref_slice %arg8[%dma_start3A_198, %dma_start3A_199] : memref<80x125xi32, #tpu.memory_space<vmem>> -> memref<1x125xi32, #tpu.memory_space<vmem>>
    %dma_start3A_201 = tpu.memref_squeeze %dma_start3A_200 : memref<1x125xi32, #tpu.memory_space<vmem>> -> memref<125xi32, #tpu.memory_space<vmem>>
    %dma_start3A_202 = arith.constant 0 : i32
    %dma_start3A_203 = arith.constant 0 : i32
    %dma_start3A_204 = tpu.memref_slice %arg7[%dma_start3A_202, %dma_start3A_203] : memref<10240x64xf32, #tpu.memory_space<hbm>> -> memref<10240x64xf32, #tpu.memory_space<hbm>>
    tpu.enqueue_indirect_dma source(%dma_start3A_204 : memref<10240x64xf32, #tpu.memory_space<hbm>>) target(%arg15 : memref<125x64xf32, #tpu.memory_space<vmem>>) offsets(%dma_start3A_201 : memref<125xi32, #tpu.memory_space<vmem>>) semaphore(%arg20 : memref<!tpu.dma_semaphore, #tpu.memory_space<semaphore_mem>>)
    %scan3A_205 = arith.constant 0 : i32
    %scan3A_206 = arith.constant 0 : i32
    %scan3A_207 = arith.constant 20 : i32
    %scan3A_208 = arith.addi %scan3A_206, %scan3A_207 : i32
    %scan3A_209 = arith.constant 1 : i32
    scf.for %scan3A_212 = %scan3A_206 to %scan3A_208 step %scan3A_209  : i32 {
      %mul3A_213 = arith.constant 4 : i32
      %mul3A_214 = arith.muli %scan3A_212, %mul3A_213 : i32
      %add3A_215 = arith.constant 0 : i32
      %add3A_216 = arith.addi %mul3A_214, %add3A_215 : i32
      %dma_wait3A_217 = arith.constant 0 : i32
      %dma_wait3A_218 = tpu.memref_slice %arg8[%add3A_216, %dma_wait3A_217] : memref<80x125xi32, #tpu.memory_space<vmem>> -> memref<1x125xi32, #tpu.memory_space<vmem>>
      %dma_wait3A_219 = tpu.memref_squeeze %dma_wait3A_218 : memref<1x125xi32, #tpu.memory_space<vmem>> -> memref<125xi32, #tpu.memory_space<vmem>>
      %dma_wait3A_220 = arith.constant 0 : i32
      %dma_wait3A_221 = arith.constant 0 : i32
      %dma_wait3A_222 = tpu.memref_slice %arg7[%dma_wait3A_220, %dma_wait3A_221] : memref<10240x64xf32, #tpu.memory_space<hbm>> -> memref<10240x64xf32, #tpu.memory_space<hbm>>
      tpu.wait_indirect_dma semaphore(%arg17 : memref<!tpu.dma_semaphore, #tpu.memory_space<semaphore_mem>>) src(%dma_wait3A_222 : memref<10240x64xf32, #tpu.memory_space<hbm>>) dst(%arg12 : memref<125x64xf32, #tpu.memory_space<vmem>>)
      %add3A_223 = arith.constant 0 : i32
      %add3A_224 = arith.addi %mul3A_214, %add3A_223 : i32
      "tpu.region"() ({
        %run_scoped3A = tpu.sem_alloc : memref<!tpu.dma_semaphore, #tpu.memory_space<semaphore_mem>>
        %dma_start3A_274 = arith.constant 0 : i32
        %dma_start3A_275 = tpu.memref_slice %arg9[%add3A_224, %dma_start3A_274] : memref<80x125xi32, #tpu.memory_space<vmem>> -> memref<1x125xi32, #tpu.memory_space<vmem>>
        %dma_start3A_276 = tpu.memref_squeeze %dma_start3A_275 : memref<1x125xi32, #tpu.memory_space<vmem>> -> memref<125xi32, #tpu.memory_space<vmem>>
        %dma_start3A_277 = arith.constant 0 : i32
        %dma_start3A_278 = arith.constant 0 : i32
        %dma_start3A_279 = tpu.memref_slice %arg16[%dma_start3A_277, %dma_start3A_278] : memref<10240x64xf32, #tpu.memory_space<vmem_shared>> -> memref<10240x64xf32, #tpu.memory_space<vmem_shared>>
        tpu.enqueue_indirect_dma source(%arg12 : memref<125x64xf32, #tpu.memory_space<vmem>>) target(%dma_start3A_279 : memref<10240x64xf32, #tpu.memory_space<vmem_shared>>) offsets(%dma_start3A_276 : memref<125xi32, #tpu.memory_space<vmem>>) semaphore(%run_scoped3A : memref<!tpu.dma_semaphore, #tpu.memory_space<semaphore_mem>>) {add = true}
        %dma_wait3A_280 = arith.constant 0 : i32
        %dma_wait3A_281 = tpu.memref_slice %arg9[%add3A_224, %dma_wait3A_280] : memref<80x125xi32, #tpu.memory_space<vmem>> -> memref<1x125xi32, #tpu.memory_space<vmem>>
        %dma_wait3A_282 = tpu.memref_squeeze %dma_wait3A_281 : memref<1x125xi32, #tpu.memory_space<vmem>> -> memref<125xi32, #tpu.memory_space<vmem>>
        %dma_wait3A_283 = arith.constant 0 : i32
        %dma_wait3A_284 = arith.constant 0 : i32
        %dma_wait3A_285 = tpu.memref_slice %arg16[%dma_wait3A_283, %dma_wait3A_284] : memref<10240x64xf32, #tpu.memory_space<vmem_shared>> -> memref<10240x64xf32, #tpu.memory_space<vmem_shared>>
        tpu.wait_indirect_dma semaphore(%run_scoped3A : memref<!tpu.dma_semaphore, #tpu.memory_space<semaphore_mem>>) src(%arg12 : memref<125x64xf32, #tpu.memory_space<vmem>>) dst(%dma_wait3A_285 : memref<10240x64xf32, #tpu.memory_space<vmem_shared>>)
        tpu.yield
      }) : () -> ()
      %lt3A = arith.constant 19 : i32
      %lt3A_225 = arith.cmpi slt, %scan3A_212, %lt3A : i32
      %convert_element_type3A_226 = arith.extui %lt3A_225 : i1 to i32
      %cond3A_227 = arith.constant 0 : i32
      %cond3A_228 = arith.cmpi ne, %convert_element_type3A_226, %cond3A_227 : i32
      scf.if %cond3A_228 {
        %add3A_274 = arith.constant 4 : i32
        %add3A_275 = arith.addi %mul3A_214, %add3A_274 : i32
        %add3A_276 = arith.constant 0 : i32
        %add3A_277 = arith.addi %add3A_275, %add3A_276 : i32
        %dma_start3A_278 = arith.constant 0 : i32
        %dma_start3A_279 = tpu.memref_slice %arg8[%add3A_277, %dma_start3A_278] : memref<80x125xi32, #tpu.memory_space<vmem>> -> memref<1x125xi32, #tpu.memory_space<vmem>>
        %dma_start3A_280 = tpu.memref_squeeze %dma_start3A_279 : memref<1x125xi32, #tpu.memory_space<vmem>> -> memref<125xi32, #tpu.memory_space<vmem>>
        %dma_start3A_281 = arith.constant 0 : i32
        %dma_start3A_282 = arith.constant 0 : i32
        %dma_start3A_283 = tpu.memref_slice %arg7[%dma_start3A_281, %dma_start3A_282] : memref<10240x64xf32, #tpu.memory_space<hbm>> -> memref<10240x64xf32, #tpu.memory_space<hbm>>
        tpu.enqueue_indirect_dma source(%dma_start3A_283 : memref<10240x64xf32, #tpu.memory_space<hbm>>) target(%arg12 : memref<125x64xf32, #tpu.memory_space<vmem>>) offsets(%dma_start3A_280 : memref<125xi32, #tpu.memory_space<vmem>>) semaphore(%arg17 : memref<!tpu.dma_semaphore, #tpu.memory_space<semaphore_mem>>)
      } else {
      }
      %add3A_229 = arith.constant 1 : i32
      %add3A_230 = arith.addi %mul3A_214, %add3A_229 : i32
      %dma_wait3A_231 = arith.constant 0 : i32
      %dma_wait3A_232 = tpu.memref_slice %arg8[%add3A_230, %dma_wait3A_231] : memref<80x125xi32, #tpu.memory_space<vmem>> -> memref<1x125xi32, #tpu.memory_space<vmem>>
      %dma_wait3A_233 = tpu.memref_squeeze %dma_wait3A_232 : memref<1x125xi32, #tpu.memory_space<vmem>> -> memref<125xi32, #tpu.memory_space<vmem>>
      %dma_wait3A_234 = arith.constant 0 : i32
      %dma_wait3A_235 = arith.constant 0 : i32
      %dma_wait3A_236 = tpu.memref_slice %arg7[%dma_wait3A_234, %dma_wait3A_235] : memref<10240x64xf32, #tpu.memory_space<hbm>> -> memref<10240x64xf32, #tpu.memory_space<hbm>>
      tpu.wait_indirect_dma semaphore(%arg18 : memref<!tpu.dma_semaphore, #tpu.memory_space<semaphore_mem>>) src(%dma_wait3A_236 : memref<10240x64xf32, #tpu.memory_space<hbm>>) dst(%arg13 : memref<125x64xf32, #tpu.memory_space<vmem>>)
      %add3A_237 = arith.constant 1 : i32
      %add3A_238 = arith.addi %mul3A_214, %add3A_237 : i32
      "tpu.region"() ({
        %run_scoped3A = tpu.sem_alloc : memref<!tpu.dma_semaphore, #tpu.memory_space<semaphore_mem>>
        %dma_start3A_274 = arith.constant 0 : i32
        %dma_start3A_275 = tpu.memref_slice %arg9[%add3A_238, %dma_start3A_274] : memref<80x125xi32, #tpu.memory_space<vmem>> -> memref<1x125xi32, #tpu.memory_space<vmem>>
        %dma_start3A_276 = tpu.memref_squeeze %dma_start3A_275 : memref<1x125xi32, #tpu.memory_space<vmem>> -> memref<125xi32, #tpu.memory_space<vmem>>
        %dma_start3A_277 = arith.constant 0 : i32
        %dma_start3A_278 = arith.constant 0 : i32
        %dma_start3A_279 = tpu.memref_slice %arg16[%dma_start3A_277, %dma_start3A_278] : memref<10240x64xf32, #tpu.memory_space<vmem_shared>> -> memref<10240x64xf32, #tpu.memory_space<vmem_shared>>
        tpu.enqueue_indirect_dma source(%arg13 : memref<125x64xf32, #tpu.memory_space<vmem>>) target(%dma_start3A_279 : memref<10240x64xf32, #tpu.memory_space<vmem_shared>>) offsets(%dma_start3A_276 : memref<125xi32, #tpu.memory_space<vmem>>) semaphore(%run_scoped3A : memref<!tpu.dma_semaphore, #tpu.memory_space<semaphore_mem>>) {add = true}
        %dma_wait3A_280 = arith.constant 0 : i32
        %dma_wait3A_281 = tpu.memref_slice %arg9[%add3A_238, %dma_wait3A_280] : memref<80x125xi32, #tpu.memory_space<vmem>> -> memref<1x125xi32, #tpu.memory_space<vmem>>
        %dma_wait3A_282 = tpu.memref_squeeze %dma_wait3A_281 : memref<1x125xi32, #tpu.memory_space<vmem>> -> memref<125xi32, #tpu.memory_space<vmem>>
        %dma_wait3A_283 = arith.constant 0 : i32
        %dma_wait3A_284 = arith.constant 0 : i32
        %dma_wait3A_285 = tpu.memref_slice %arg16[%dma_wait3A_283, %dma_wait3A_284] : memref<10240x64xf32, #tpu.memory_space<vmem_shared>> -> memref<10240x64xf32, #tpu.memory_space<vmem_shared>>
        tpu.wait_indirect_dma semaphore(%run_scoped3A : memref<!tpu.dma_semaphore, #tpu.memory_space<semaphore_mem>>) src(%arg13 : memref<125x64xf32, #tpu.memory_space<vmem>>) dst(%dma_wait3A_285 : memref<10240x64xf32, #tpu.memory_space<vmem_shared>>)
        tpu.yield
      }) : () -> ()
      %lt3A_239 = arith.constant 19 : i32
      %lt3A_240 = arith.cmpi slt, %scan3A_212, %lt3A_239 : i32
      %convert_element_type3A_241 = arith.extui %lt3A_240 : i1 to i32
      %cond3A_242 = arith.constant 0 : i32
      %cond3A_243 = arith.cmpi ne, %convert_element_type3A_241, %cond3A_242 : i32
      scf.if %cond3A_243 {
        %add3A_274 = arith.constant 4 : i32
        %add3A_275 = arith.addi %mul3A_214, %add3A_274 : i32
        %add3A_276 = arith.constant 1 : i32
        %add3A_277 = arith.addi %add3A_275, %add3A_276 : i32
        %dma_start3A_278 = arith.constant 0 : i32
        %dma_start3A_279 = tpu.memref_slice %arg8[%add3A_277, %dma_start3A_278] : memref<80x125xi32, #tpu.memory_space<vmem>> -> memref<1x125xi32, #tpu.memory_space<vmem>>
        %dma_start3A_280 = tpu.memref_squeeze %dma_start3A_279 : memref<1x125xi32, #tpu.memory_space<vmem>> -> memref<125xi32, #tpu.memory_space<vmem>>
        %dma_start3A_281 = arith.constant 0 : i32
        %dma_start3A_282 = arith.constant 0 : i32
        %dma_start3A_283 = tpu.memref_slice %arg7[%dma_start3A_281, %dma_start3A_282] : memref<10240x64xf32, #tpu.memory_space<hbm>> -> memref<10240x64xf32, #tpu.memory_space<hbm>>
        tpu.enqueue_indirect_dma source(%dma_start3A_283 : memref<10240x64xf32, #tpu.memory_space<hbm>>) target(%arg13 : memref<125x64xf32, #tpu.memory_space<vmem>>) offsets(%dma_start3A_280 : memref<125xi32, #tpu.memory_space<vmem>>) semaphore(%arg18 : memref<!tpu.dma_semaphore, #tpu.memory_space<semaphore_mem>>)
      } else {
      }
      %add3A_244 = arith.constant 2 : i32
      %add3A_245 = arith.addi %mul3A_214, %add3A_244 : i32
      %dma_wait3A_246 = arith.constant 0 : i32
      %dma_wait3A_247 = tpu.memref_slice %arg8[%add3A_245, %dma_wait3A_246] : memref<80x125xi32, #tpu.memory_space<vmem>> -> memref<1x125xi32, #tpu.memory_space<vmem>>
      %dma_wait3A_248 = tpu.memref_squeeze %dma_wait3A_247 : memref<1x125xi32, #tpu.memory_space<vmem>> -> memref<125xi32, #tpu.memory_space<vmem>>
      %dma_wait3A_249 = arith.constant 0 : i32
      %dma_wait3A_250 = arith.constant 0 : i32
      %dma_wait3A_251 = tpu.memref_slice %arg7[%dma_wait3A_249, %dma_wait3A_250] : memref<10240x64xf32, #tpu.memory_space<hbm>> -> memref<10240x64xf32, #tpu.memory_space<hbm>>
      tpu.wait_indirect_dma semaphore(%arg19 : memref<!tpu.dma_semaphore, #tpu.memory_space<semaphore_mem>>) src(%dma_wait3A_251 : memref<10240x64xf32, #tpu.memory_space<hbm>>) dst(%arg14 : memref<125x64xf32, #tpu.memory_space<vmem>>)
      %add3A_252 = arith.constant 2 : i32
      %add3A_253 = arith.addi %mul3A_214, %add3A_252 : i32
      "tpu.region"() ({
        %run_scoped3A = tpu.sem_alloc : memref<!tpu.dma_semaphore, #tpu.memory_space<semaphore_mem>>
        %dma_start3A_274 = arith.constant 0 : i32
        %dma_start3A_275 = tpu.memref_slice %arg9[%add3A_253, %dma_start3A_274] : memref<80x125xi32, #tpu.memory_space<vmem>> -> memref<1x125xi32, #tpu.memory_space<vmem>>
        %dma_start3A_276 = tpu.memref_squeeze %dma_start3A_275 : memref<1x125xi32, #tpu.memory_space<vmem>> -> memref<125xi32, #tpu.memory_space<vmem>>
        %dma_start3A_277 = arith.constant 0 : i32
        %dma_start3A_278 = arith.constant 0 : i32
        %dma_start3A_279 = tpu.memref_slice %arg16[%dma_start3A_277, %dma_start3A_278] : memref<10240x64xf32, #tpu.memory_space<vmem_shared>> -> memref<10240x64xf32, #tpu.memory_space<vmem_shared>>
        tpu.enqueue_indirect_dma source(%arg14 : memref<125x64xf32, #tpu.memory_space<vmem>>) target(%dma_start3A_279 : memref<10240x64xf32, #tpu.memory_space<vmem_shared>>) offsets(%dma_start3A_276 : memref<125xi32, #tpu.memory_space<vmem>>) semaphore(%run_scoped3A : memref<!tpu.dma_semaphore, #tpu.memory_space<semaphore_mem>>) {add = true}
        %dma_wait3A_280 = arith.constant 0 : i32
        %dma_wait3A_281 = tpu.memref_slice %arg9[%add3A_253, %dma_wait3A_280] : memref<80x125xi32, #tpu.memory_space<vmem>> -> memref<1x125xi32, #tpu.memory_space<vmem>>
        %dma_wait3A_282 = tpu.memref_squeeze %dma_wait3A_281 : memref<1x125xi32, #tpu.memory_space<vmem>> -> memref<125xi32, #tpu.memory_space<vmem>>
        %dma_wait3A_283 = arith.constant 0 : i32
        %dma_wait3A_284 = arith.constant 0 : i32
        %dma_wait3A_285 = tpu.memref_slice %arg16[%dma_wait3A_283, %dma_wait3A_284] : memref<10240x64xf32, #tpu.memory_space<vmem_shared>> -> memref<10240x64xf32, #tpu.memory_space<vmem_shared>>
        tpu.wait_indirect_dma semaphore(%run_scoped3A : memref<!tpu.dma_semaphore, #tpu.memory_space<semaphore_mem>>) src(%arg14 : memref<125x64xf32, #tpu.memory_space<vmem>>) dst(%dma_wait3A_285 : memref<10240x64xf32, #tpu.memory_space<vmem_shared>>)
        tpu.yield
      }) : () -> ()
      %lt3A_254 = arith.constant 19 : i32
      %lt3A_255 = arith.cmpi slt, %scan3A_212, %lt3A_254 : i32
      %convert_element_type3A_256 = arith.extui %lt3A_255 : i1 to i32
      %cond3A_257 = arith.constant 0 : i32
      %cond3A_258 = arith.cmpi ne, %convert_element_type3A_256, %cond3A_257 : i32
      scf.if %cond3A_258 {
        %add3A_274 = arith.constant 4 : i32
        %add3A_275 = arith.addi %mul3A_214, %add3A_274 : i32
        %add3A_276 = arith.constant 2 : i32
        %add3A_277 = arith.addi %add3A_275, %add3A_276 : i32
        %dma_start3A_278 = arith.constant 0 : i32
        %dma_start3A_279 = tpu.memref_slice %arg8[%add3A_277, %dma_start3A_278] : memref<80x125xi32, #tpu.memory_space<vmem>> -> memref<1x125xi32, #tpu.memory_space<vmem>>
        %dma_start3A_280 = tpu.memref_squeeze %dma_start3A_279 : memref<1x125xi32, #tpu.memory_space<vmem>> -> memref<125xi32, #tpu.memory_space<vmem>>
        %dma_start3A_281 = arith.constant 0 : i32
        %dma_start3A_282 = arith.constant 0 : i32
        %dma_start3A_283 = tpu.memref_slice %arg7[%dma_start3A_281, %dma_start3A_282] : memref<10240x64xf32, #tpu.memory_space<hbm>> -> memref<10240x64xf32, #tpu.memory_space<hbm>>
        tpu.enqueue_indirect_dma source(%dma_start3A_283 : memref<10240x64xf32, #tpu.memory_space<hbm>>) target(%arg14 : memref<125x64xf32, #tpu.memory_space<vmem>>) offsets(%dma_start3A_280 : memref<125xi32, #tpu.memory_space<vmem>>) semaphore(%arg19 : memref<!tpu.dma_semaphore, #tpu.memory_space<semaphore_mem>>)
      } else {
      }
      %add3A_259 = arith.constant 3 : i32
      %add3A_260 = arith.addi %mul3A_214, %add3A_259 : i32
      %dma_wait3A_261 = arith.constant 0 : i32
      %dma_wait3A_262 = tpu.memref_slice %arg8[%add3A_260, %dma_wait3A_261] : memref<80x125xi32, #tpu.memory_space<vmem>> -> memref<1x125xi32, #tpu.memory_space<vmem>>
      %dma_wait3A_263 = tpu.memref_squeeze %dma_wait3A_262 : memref<1x125xi32, #tpu.memory_space<vmem>> -> memref<125xi32, #tpu.memory_space<vmem>>
      %dma_wait3A_264 = arith.constant 0 : i32
      %dma_wait3A_265 = arith.constant 0 : i32
      %dma_wait3A_266 = tpu.memref_slice %arg7[%dma_wait3A_264, %dma_wait3A_265] : memref<10240x64xf32, #tpu.memory_space<hbm>> -> memref<10240x64xf32, #tpu.memory_space<hbm>>
      tpu.wait_indirect_dma semaphore(%arg20 : memref<!tpu.dma_semaphore, #tpu.memory_space<semaphore_mem>>) src(%dma_wait3A_266 : memref<10240x64xf32, #tpu.memory_space<hbm>>) dst(%arg15 : memref<125x64xf32, #tpu.memory_space<vmem>>)
      %add3A_267 = arith.constant 3 : i32
      %add3A_268 = arith.addi %mul3A_214, %add3A_267 : i32
      "tpu.region"() ({
        %run_scoped3A = tpu.sem_alloc : memref<!tpu.dma_semaphore, #tpu.memory_space<semaphore_mem>>
        %dma_start3A_274 = arith.constant 0 : i32
        %dma_start3A_275 = tpu.memref_slice %arg9[%add3A_268, %dma_start3A_274] : memref<80x125xi32, #tpu.memory_space<vmem>> -> memref<1x125xi32, #tpu.memory_space<vmem>>
        %dma_start3A_276 = tpu.memref_squeeze %dma_start3A_275 : memref<1x125xi32, #tpu.memory_space<vmem>> -> memref<125xi32, #tpu.memory_space<vmem>>
        %dma_start3A_277 = arith.constant 0 : i32
        %dma_start3A_278 = arith.constant 0 : i32
        %dma_start3A_279 = tpu.memref_slice %arg16[%dma_start3A_277, %dma_start3A_278] : memref<10240x64xf32, #tpu.memory_space<vmem_shared>> -> memref<10240x64xf32, #tpu.memory_space<vmem_shared>>
        tpu.enqueue_indirect_dma source(%arg15 : memref<125x64xf32, #tpu.memory_space<vmem>>) target(%dma_start3A_279 : memref<10240x64xf32, #tpu.memory_space<vmem_shared>>) offsets(%dma_start3A_276 : memref<125xi32, #tpu.memory_space<vmem>>) semaphore(%run_scoped3A : memref<!tpu.dma_semaphore, #tpu.memory_space<semaphore_mem>>) {add = true}
        %dma_wait3A_280 = arith.constant 0 : i32
        %dma_wait3A_281 = tpu.memref_slice %arg9[%add3A_268, %dma_wait3A_280] : memref<80x125xi32, #tpu.memory_space<vmem>> -> memref<1x125xi32, #tpu.memory_space<vmem>>
        %dma_wait3A_282 = tpu.memref_squeeze %dma_wait3A_281 : memref<1x125xi32, #tpu.memory_space<vmem>> -> memref<125xi32, #tpu.memory_space<vmem>>
        %dma_wait3A_283 = arith.constant 0 : i32
        %dma_wait3A_284 = arith.constant 0 : i32
        %dma_wait3A_285 = tpu.memref_slice %arg16[%dma_wait3A_283, %dma_wait3A_284] : memref<10240x64xf32, #tpu.memory_space<vmem_shared>> -> memref<10240x64xf32, #tpu.memory_space<vmem_shared>>
        tpu.wait_indirect_dma semaphore(%run_scoped3A : memref<!tpu.dma_semaphore, #tpu.memory_space<semaphore_mem>>) src(%arg15 : memref<125x64xf32, #tpu.memory_space<vmem>>) dst(%dma_wait3A_285 : memref<10240x64xf32, #tpu.memory_space<vmem_shared>>)
        tpu.yield
      }) : () -> ()
      %lt3A_269 = arith.constant 19 : i32
      %lt3A_270 = arith.cmpi slt, %scan3A_212, %lt3A_269 : i32
      %convert_element_type3A_271 = arith.extui %lt3A_270 : i1 to i32
      %cond3A_272 = arith.constant 0 : i32
      %cond3A_273 = arith.cmpi ne, %convert_element_type3A_271, %cond3A_272 : i32
      scf.if %cond3A_273 {
        %add3A_274 = arith.constant 4 : i32
        %add3A_275 = arith.addi %mul3A_214, %add3A_274 : i32
        %add3A_276 = arith.constant 3 : i32
        %add3A_277 = arith.addi %add3A_275, %add3A_276 : i32
        %dma_start3A_278 = arith.constant 0 : i32
        %dma_start3A_279 = tpu.memref_slice %arg8[%add3A_277, %dma_start3A_278] : memref<80x125xi32, #tpu.memory_space<vmem>> -> memref<1x125xi32, #tpu.memory_space<vmem>>
        %dma_start3A_280 = tpu.memref_squeeze %dma_start3A_279 : memref<1x125xi32, #tpu.memory_space<vmem>> -> memref<125xi32, #tpu.memory_space<vmem>>
        %dma_start3A_281 = arith.constant 0 : i32
        %dma_start3A_282 = arith.constant 0 : i32
        %dma_start3A_283 = tpu.memref_slice %arg7[%dma_start3A_281, %dma_start3A_282] : memref<10240x64xf32, #tpu.memory_space<hbm>> -> memref<10240x64xf32, #tpu.memory_space<hbm>>
        tpu.enqueue_indirect_dma source(%dma_start3A_283 : memref<10240x64xf32, #tpu.memory_space<hbm>>) target(%arg15 : memref<125x64xf32, #tpu.memory_space<vmem>>) offsets(%dma_start3A_280 : memref<125xi32, #tpu.memory_space<vmem>>) semaphore(%arg20 : memref<!tpu.dma_semaphore, #tpu.memory_space<semaphore_mem>>)
      } else {
      }
    }
    %scan3A_210 = arith.constant 20 : i32
    %barrier3A_211 = arith.constant 0 : index
    tpu.barrier barrier_id(%barrier3A_211)
    "tpu.region"() ({
      %run_scoped3A = tpu.sem_alloc : memref<!tpu.dma_semaphore, #tpu.memory_space<semaphore_mem>>
      %dma_start3A_212 = arith.constant 0 : i32
      %dma_start3A_213 = tpu.memref_slice %arg6[%arg0, %mul3A_0, %dma_start3A_212] : memref<2x10240x64xf32, #tpu.memory_space<hbm>> -> memref<1x640x64xf32, #tpu.memory_space<hbm>>
      %dma_start3A_214 = tpu.memref_squeeze %dma_start3A_213 : memref<1x640x64xf32, #tpu.memory_space<hbm>> -> memref<640x64xf32, #tpu.memory_space<hbm>>
      %dma_start3A_215 = arith.constant 0 : i32
      %dma_start3A_216 = tpu.memref_slice %arg16[%mul3A_0, %dma_start3A_215] : memref<10240x64xf32, #tpu.memory_space<vmem_shared>> -> memref<640x64xf32, #tpu.memory_space<vmem_shared>>
      tpu.enqueue_dma source(%dma_start3A_216 : memref<640x64xf32, #tpu.memory_space<vmem_shared>>) target(%dma_start3A_214 : memref<640x64xf32, #tpu.memory_space<hbm>>) target_semaphore(%run_scoped3A : memref<!tpu.dma_semaphore, #tpu.memory_space<semaphore_mem>>)
      %dma_wait3A_217 = arith.constant 0 : i32
      %dma_wait3A_218 = tpu.memref_slice %arg6[%arg0, %mul3A_0, %dma_wait3A_217] : memref<2x10240x64xf32, #tpu.memory_space<hbm>> -> memref<1x640x64xf32, #tpu.memory_space<hbm>>
      %dma_wait3A_219 = tpu.memref_squeeze %dma_wait3A_218 : memref<1x640x64xf32, #tpu.memory_space<hbm>> -> memref<640x64xf32, #tpu.memory_space<hbm>>
      %dma_wait3A_220 = arith.constant 0 : i32
      %dma_wait3A_221 = tpu.memref_slice %arg16[%mul3A_0, %dma_wait3A_220] : memref<10240x64xf32, #tpu.memory_space<vmem_shared>> -> memref<640x64xf32, #tpu.memory_space<vmem_shared>>
      tpu.wait_dma2 semaphore(%run_scoped3A : memref<!tpu.dma_semaphore, #tpu.memory_space<semaphore_mem>>) src(%dma_wait3A_221 : memref<640x64xf32, #tpu.memory_space<vmem_shared>>) dst(%dma_wait3A_219 : memref<640x64xf32, #tpu.memory_space<hbm>>)
      tpu.yield
    }) : () -> ()
    return
  }
}

module attributes {stable_mosaic.version = 14 : i64} {
  func.func @_h_body(%arg0: memref<10000x128xf32, #tpu.memory_space<vmem>>, %arg1: memref<128x64xf32, #tpu.memory_space<vmem>>, %arg2: memref<10240x64xf32, #tpu.memory_space<vmem>>) attributes {dimension_semantics = [], scalar_prefetch = 0 : i64, scratch_operands = 0 : i64, tpu.core_type = #tpu.core_type<tc>} {
    %get3A = arith.constant 0 : index
    %get3A_0 = arith.constant 0 : index
    %get3A_1 = vector.load %arg0[%get3A, %get3A_0] : memref<10000x128xf32, #tpu.memory_space<vmem>>, vector<10000x128xf32>
    %get3A_2 = arith.constant 0 : index
    %get3A_3 = arith.constant 0 : index
    %get3A_4 = vector.load %arg1[%get3A_2, %get3A_3] : memref<128x64xf32, #tpu.memory_space<vmem>>, vector<128x64xf32>
    %dot_general3A = arith.constant dense<0.000000e+00> : vector<10000x64xf32>
    %dot_general3A_5 = tpu.matmul %get3A_1, %get3A_4, %dot_general3A {dimension_numbers = #tpu.dot_dimension_numbers<[1], [0], [0], [1], [0, 0, 1, 1], [], []>, transpose_lhs_hint = false} : vector<10000x128xf32>, vector<128x64xf32>, vector<10000x64xf32> -> vector<10000x64xf32>
    %swap3A = arith.constant 0 : index
    %swap3A_6 = arith.constant 0 : index
    %swap3A_7 = vector.load %arg2[%swap3A, %swap3A_6] : memref<10240x64xf32, #tpu.memory_space<vmem>>, vector<10000x64xf32>
    tpu.vector_store %arg2[%swap3A, %swap3A_6], %dot_general3A_5 {strides = array<i32>} : memref<10240x64xf32, #tpu.memory_space<vmem>>, vector<10000x64xf32>,
    %broadcast_in_dim3A = arith.constant 0.000000e+00 : f32
    %broadcast_in_dim3A_8 = vector.broadcast %broadcast_in_dim3A : f32 to vector<240x64xf32>
    %swap3A_9 = arith.constant 10000 : index
    %swap3A_10 = arith.constant 0 : index
    %swap3A_11 = vector.load %arg2[%swap3A_9, %swap3A_10] : memref<10240x64xf32, #tpu.memory_space<vmem>>, vector<240x64xf32>
    tpu.vector_store %arg2[%swap3A_9, %swap3A_10], %broadcast_in_dim3A_8 {strides = array<i32>} : memref<10240x64xf32, #tpu.memory_space<vmem>>, vector<240x64xf32>,
    return
  }
}

module attributes {stable_mosaic.version = 14 : i64} {
  func.func @_dec_body(%arg0: memref<10000x64xf32, #tpu.memory_space<vmem>>, %arg1: memref<10000x64xf32, #tpu.memory_space<vmem>>, %arg2: memref<10000x16xf32, #tpu.memory_space<vmem>>, %arg3: memref<10000x16xf32, #tpu.memory_space<vmem>>, %arg4: memref<1x64xf32, #tpu.memory_space<vmem>>, %arg5: memref<64x128xf32, #tpu.memory_space<vmem>>, %arg6: memref<1x128xf32, #tpu.memory_space<vmem>>, %arg7: memref<10000x64xf32, #tpu.memory_space<vmem>>, %arg8: memref<10000x128xf32, #tpu.memory_space<vmem>>) attributes {dimension_semantics = [], scalar_prefetch = 0 : i64, scratch_operands = 0 : i64, tpu.core_type = #tpu.core_type<tc>} {
    %get3A = arith.constant 0 : index
    %get3A_0 = arith.constant 0 : index
    %get3A_1 = vector.load %arg2[%get3A, %get3A_0] : memref<10000x16xf32, #tpu.memory_space<vmem>>, vector<10000x1xf32>
    %get3A_2 = arith.constant 0 : index
    %get3A_3 = arith.constant 0 : index
    %get3A_4 = vector.load %arg3[%get3A_2, %get3A_3] : memref<10000x16xf32, #tpu.memory_space<vmem>>, vector<10000x1xf32>
    %add3A = arith.addf %get3A_1, %get3A_4 : vector<10000x1xf32>
    %add3A_5 = arith.constant 1.000000e+00 : f32
    %add3A_6 = vector.broadcast %add3A_5 : f32 to vector<10000x1xf32>
    %add3A_7 = arith.addf %add3A, %add3A_6 : vector<10000x1xf32>
    %rsqrt3A = math.rsqrt %add3A_7 : vector<10000x1xf32>
    %get3A_8 = arith.constant 0 : index
    %get3A_9 = arith.constant 0 : index
    %get3A_10 = vector.load %arg0[%get3A_8, %get3A_9] : memref<10000x64xf32, #tpu.memory_space<vmem>>, vector<10000x64xf32>
    %get3A_11 = arith.constant 0 : index
    %get3A_12 = arith.constant 0 : index
    %get3A_13 = vector.load %arg1[%get3A_11, %get3A_12] : memref<10000x64xf32, #tpu.memory_space<vmem>>, vector<10000x64xf32>
    %add3A_14 = arith.addf %get3A_10, %get3A_13 : vector<10000x64xf32>
    %mul3A = vector.broadcast %rsqrt3A : vector<10000x1xf32> to vector<10000x64xf32>
    %mul3A_15 = arith.mulf %add3A_14, %mul3A : vector<10000x64xf32>
    %get3A_16 = arith.constant 0 : index
    %get3A_17 = arith.constant 0 : index
    %get3A_18 = vector.load %arg4[%get3A_16, %get3A_17] : memref<1x64xf32, #tpu.memory_space<vmem>>, vector<1x64xf32>
    %add3A_19 = vector.broadcast %get3A_18 : vector<1x64xf32> to vector<10000x64xf32>
    %add3A_20 = arith.addf %mul3A_15, %add3A_19 : vector<10000x64xf32>
    %max3A = arith.constant 0.000000e+00 : f32
    %max3A_21 = vector.broadcast %max3A : f32 to vector<10000x64xf32>
    %max3A_22 = arith.maximumf %add3A_20, %max3A_21 : vector<10000x64xf32>
    %swap3A = arith.constant 0 : index
    %swap3A_23 = arith.constant 0 : index
    %swap3A_24 = vector.load %arg7[%swap3A, %swap3A_23] : memref<10000x64xf32, #tpu.memory_space<vmem>>, vector<10000x64xf32>
    tpu.vector_store %arg7[%swap3A, %swap3A_23], %max3A_22 {strides = array<i32>} : memref<10000x64xf32, #tpu.memory_space<vmem>>, vector<10000x64xf32>,
    %get3A_25 = arith.constant 0 : index
    %get3A_26 = arith.constant 0 : index
    %get3A_27 = vector.load %arg5[%get3A_25, %get3A_26] : memref<64x128xf32, #tpu.memory_space<vmem>>, vector<64x128xf32>
    %dot_general3A = arith.constant dense<0.000000e+00> : vector<10000x128xf32>
    %dot_general3A_28 = tpu.matmul %max3A_22, %get3A_27, %dot_general3A {dimension_numbers = #tpu.dot_dimension_numbers<[1], [0], [0], [1], [0, 0, 1, 1], [], []>, transpose_lhs_hint = false} : vector<10000x64xf32>, vector<64x128xf32>, vector<10000x128xf32> -> vector<10000x128xf32>
    %get3A_29 = arith.constant 0 : index
    %get3A_30 = arith.constant 0 : index
    %get3A_31 = vector.load %arg6[%get3A_29, %get3A_30] : memref<1x128xf32, #tpu.memory_space<vmem>>, vector<1x128xf32>
    %add3A_32 = vector.broadcast %get3A_31 : vector<1x128xf32> to vector<10000x128xf32>
    %add3A_33 = arith.addf %dot_general3A_28, %add3A_32 : vector<10000x128xf32>
    %swap3A_34 = arith.constant 0 : index
    %swap3A_35 = arith.constant 0 : index
    %swap3A_36 = vector.load %arg8[%swap3A_34, %swap3A_35] : memref<10000x128xf32, #tpu.memory_space<vmem>>, vector<10000x128xf32>
    tpu.vector_store %arg8[%swap3A_34, %swap3A_35], %add3A_33 {strides = array<i32>} : memref<10000x128xf32, #tpu.memory_space<vmem>>, vector<10000x128xf32>,
    return
  }
}

</mosaic_0001>

<sc_bundles>
// kernel: sc_degree_histogram.3.cloned.1.call-start
scs
__scs_entry_jumppad:
0x0: {  	(pc) =	sbr.rel $0x88, $3  }
0x1: {  	(tag) =	ssettag $0x0;
	lr =	simm.s32 $0x1  }
0x2: {  	[smem:$0x3F9B] =	sst lr;
	_ =	strace $0xD0000000  }
0x3: {  	_ = 	snop  }
0x4: {  	_ = 	snop  }
0x5: {  	_ = 	snop  }
0x6: {  	_ = 	snop  }
0x7: {  	_ = 	snop  }
__scs_overlays_trampoline_lowered:
0x8: {  	[smem:$0x3FAA] =	sst s0  }
0x9: {  	[smem:$0x3FAB] =	sst s1  }
0xa: {  	[smem:$0x3FAC] =	sst s2  }
0xb: {  	[smem:$0x3FAD] =	sst s3  }
0xc: {  	[smem:$0x3FAE] =	sst s4  }
0xd: {  	[smem:$0x3FAF] =	sst s5  }
0xe: {  	[smem:$0x3FB0] =	sst s6  }
0xf: {  	[smem:$0x3FB1] =	sst s7  }
0x10: {  	[smem:$0x3FB2] =	sst s8  }
0x11: {  	[smem:$0x3FB3] =	sst s9;
	s0 =	simm.s32 @!p0 $0x0  }
0x12: {  	s1 =	sld [smem:$0x3F99];
	s0 =	simm.s32 @p0 $0x1  }
0x13: {  	[smem:$0x3FB4] =	sst s0;
	s0 =	simm.s32 @!p1 $0x0  }
0x14: {  	s2 =	sld [smem:$0x3F98];
	s0 =	simm.s32 @p1 $0x1  }
0x15: {  	[smem:$0x3FB5] =	sst s0;
	s0 =	simm.s32 @!p2 $0x0  }
0x16: {  	s3 =	sld [smem:$0x3FDB];
	s0 =	simm.s32 @p2 $0x1  }
0x17: {  	s4 =	simm.s32 $0x1BF5;
	[smem:$0x3FB7] =	sst s0  }
0x18: {  	s0 =	sld [smem:$0x3F9A];
	_ =	swait.ge [sflag:s4], $0x0  }
0x19: {  	s7 =	sld [smem:$0x3F9B]  }
0x1a: {  	s8 =	sadd.s32 $0xFFFFE003, lr  }
0x1b: {  	s9 =	sadd.s32 $0xFFFFFEF7, lr;
	s5 =	simm.s32 $0xFFFFFFFF;
	p2 =	slt.u32 s8, $0xFFFFF086  }
0x1c: {  	p1 =	slt.u32 s9, $0xF7A;
	s5 =	simm.s32 @!p2 $0x0  }
0x1d: {  	s5 =	simm.s32 @p1 $0x1;
	p0 =	seq.s32 s7, s2  }
0x1e: {  	s7 =	smul.u32 @!p0 $0xF7A, s2;
	p2 =	seq.s32 @!p0 s5, $0x0  }
0x1f: {  	s9 =	smul.u32 $0xF7A, s1;
	s8 =	simm.s32 @!p0 $0x1BF5;
	p2 =	por !p2, p0  }
0x20: {  	[sflag:s8] =	ssyncset.s32 @!p0 $0xFFFFF086;
	s6 =	sadd.s32 @!p0 s3, s7;
	s7 =	simm.s32 @!p0 $0x108  }
0x21: {  	s3 =	sadd.s32 s3, s9;
	s6 =	sadd.s32 @!p0 $0x88, s6;
	s7 =	simm.s32 @p2 $0x1082  }
0x22: {  	[simem:s7], [sflag:s8] =	dma.local @!p0 [hbm:s6], $0xF7A  }
0x23: {  	s9 =	sor.u32 $0xD0000000, s2;
	s6 =	simm.s32 $0x108;
	_ =	swait.ge @!p0 [sflag:s8], $0x0  }
0x24: {  	s3 =	sadd.s32 $0x88, s3;
	s6 =	simm.s32 @!p1 $0x1082;
	[sflag:s4] =	ssyncset.s32 $0xFFFFF086  }
0x25: {  	[simem:s6], [sflag:s4] =	dma.local [hbm:s3], $0xF7A  }
0x26: {  	[smem:$0x3F9B] =	sst s1;
	(tag) =	ssettag s2;
	_ =	strace s9  }
0x27: {  	s1 =	sld [smem:$0x3FAB]  }
0x28: {  	s2 =	sld [smem:$0x3FAC]  }
0x29: {  	s4 =	sld [smem:$0x3FAE]  }
0x2a: {  	p0 =	seq.s32 s5, $0x0;
	s5 =	sld [smem:$0x3FAF]  }
0x2b: {  	s6 =	sld [smem:$0x3FB0]  }
0x2c: {  	s7 =	sld [smem:$0x3FB1]  }
0x2d: {  	s3 =	simm.s32 $0x108;
	s8 =	sld [smem:$0x3FB2]  }
0x2e: {  	s3 =	simm.s32 @!p0 $0x1082;
	s9 =	sld [smem:$0x3FB3]  }
0x2f: {  	lr =	sadd.s32 s0, s3;
	s0 =	sld [smem:$0x3FAA]  }
0x30: {  	s3 =	sld [smem:$0x3FAD]  }
0x31: {  	[smem:$0x3FB6] =	sst s10  }
0x32: {  	s10 =	sld [smem:$0x3FB4];
	_ =	sdelay $0x3  }
0x33: {  	p0 =	seq.s32 s10, $0x1;
	s10 =	sld [smem:$0x3FB6];
	_ =	sdelay $0x3  }
0x34: {  	[smem:$0x3FB6] =	sst s10  }
0x35: {  	s10 =	sld [smem:$0x3FB5];
	_ =	sdelay $0x3  }
0x36: {  	p1 =	seq.s32 s10, $0x1;
	s10 =	sld [smem:$0x3FB6];
	_ =	sdelay $0x3  }
0x37: {  	[smem:$0x3FB6] =	sst s10  }
0x38: {  	s10 =	sld [smem:$0x3FB7]  }
0x39: {  	_ = 	snop;
	(pc) =	sbr.ind lr, $3  }
0x3a: {  	_ = 	snop  }
0x3b: {  	_ = 	snop  }
0x3c: {  	p2 =	seq.s32 s10, $0x1;
	s10 =	sld [smem:$0x3FB6]  }
0x3d: {  	_ =	shalt  }
0x3e: {  	_ =	shalt  }
0x3f: {  	_ =	shalt  }
0x40: {  	_ =	shalt  }
0x41: {  	_ =	shalt  }
0x42: {  	_ =	shalt  }
0x43: {  	_ =	shalt  }
0x44: {  	_ =	shalt  }
0x45: {  	_ =	shalt  }
0x46: {  	_ =	shalt  }
0x47: {  	_ =	shalt  }
0x48: {  	_ =	shalt  }
0x49: {  	_ =	shalt  }
0x4a: {  	_ =	shalt  }
0x4b: {  	_ =	shalt  }
0x4c: {  	_ =	shalt  }
0x4d: {  	_ =	shalt  }
0x4e: {  	_ =	shalt  }
0x4f: {  	_ =	shalt  }
0x50: {  	_ =	shalt  }
0x51: {  	_ =	shalt  }
0x52: {  	_ =	shalt  }
0x53: {  	_ =	shalt  }
0x54: {  	_ =	shalt  }
0x55: {  	_ =	shalt  }
0x56: {  	_ =	shalt  }
0x57: {  	_ =	shalt  }
0x58: {  	_ =	shalt  }
0x59: {  	_ =	shalt  }
0x5a: {  	_ =	shalt  }
0x5b: {  	_ =	shalt  }
0x5c: {  	_ =	shalt  }
0x5d: {  	_ =	shalt  }
0x5e: {  	_ =	shalt  }
0x5f: {  	_ =	shalt  }
0x60: {  	_ =	shalt  }
0x61: {  	_ =	shalt  }
0x62: {  	_ =	shalt  }
0x63: {  	_ =	shalt  }
0x64: {  	_ =	shalt  }
0x65: {  	_ =	shalt  }
0x66: {  	_ =	shalt  }
0x67: {  	_ =	shalt  }
0x68: {  	_ =	shalt  }
0x69: {  	_ =	shalt  }
0x6a: {  	_ =	shalt  }
0x6b: {  	_ =	shalt  }
0x6c: {  	_ =	shalt  }
0x6d: {  	_ =	shalt  }
0x6e: {  	_ =	shalt  }
0x6f: {  	_ =	shalt  }
0x70: {  	_ =	shalt  }
0x71: {  	_ =	shalt  }
0x72: {  	_ =	shalt  }
0x73: {  	_ =	shalt  }
0x74: {  	_ =	shalt  }
0x75: {  	_ =	shalt  }
0x76: {  	_ =	shalt  }
0x77: {  	_ =	shalt  }
0x78: {  	_ =	shalt  }
0x79: {  	_ =	shalt  }
0x7a: {  	_ =	shalt  }
0x7b: {  	_ =	shalt  }
0x7c: {  	_ =	shalt  }
0x7d: {  	_ =	shalt  }
0x7e: {  	_ =	shalt  }
0x7f: {  	_ =	shalt  }
0x80: {  	_ =	shalt  }
0x81: {  	_ =	shalt  }
0x82: {  	_ =	shalt  }
0x83: {  	_ =	shalt  }
0x84: {  	_ =	shalt  }
0x85: {  	_ =	shalt  }
0x86: {  	_ =	shalt  }
0x87: {  	_ =	shalt  }
.Lfunc_end0:
.L_simem_size_0:
called_computation_lowered:
.L_overlay_start_0:
0x88: {  	s2 =	sld [smem:$0x3FD9]  }
0x89: {  	s3 =	sld [smem:$0x3FFE];
	_ =	sdelay $0x1  }
0x8a: {  	s1 =	srdreg.scid  }
0x8b: {  	s0 =	sand.u32 $0x1, s1  }
0x8c: {  	s16 =	sshll.u32 s0, $0xA;
	s2 =	sadd.s32 s3, s2  }
0x8d: {  	s2 =	sadd.s32 s2, s16  }
0x8e: {  	[smem:$0x3FC2] =	sst s2  }
0x8f: {  	_ = 	snop  }
0x90: {  	(tm) =	ssettm $0x1  }
0x91: {  	s17 =	sld [smem:$0x3FFB];
	_ =	sdelay $0x3  }
0x92: {  	_ =	strace s17  }
0x93: {  	s2 =	sld [smem:$0x3FFC];
	_ =	sdelay $0x3  }
0x94: {  	_ =	strace s2  }
0x95: {  	s2 =	sld [smem:$0x3FFD];
	_ =	sdelay $0x3  }
0x96: {  	_ =	strace s2  }
0x97: {  	_ =	strace $0x8FFFFFFF  }
0x98: {  	s18 =	sld [smem:$0x3FDB];
	_ =	sdelay $0x1  }
0x99: {  	s19 =	simm.s32 $_scs_section_size  }
0x9a: {  	s4 =	simm.s32 $_size__tile_overlayer_lowered;
	s5 =	simm.s32 $_tile_overlayer_lowered  }
0x9b: {  	s22 =	simm.s32 $0x1BFF;
	s21 =	sshll.u32 s5, $0x1;
	s2 =	sadd.s32 s19, s18  }
0x9c: {  	s6 =	simm.s32 $0x0;
	s20 =	sshll.u32 s4, $0x1;
	s4 =	sadd.s32 s21, s2  }
0x9d: {  	[timem:s6], [sflag:s22] =	dma.local [hbm:s4], s20  }
0x9e: {  	_ =	swait.ge [sflag:s22], s20  }
0x9f: {  	s3 =	ssub.s32 $0x0, s20;
	[sflag:s22] =	ssyncset.done $0x0  }
0xa0: {  	[sflag:s22] =	ssyncadd.s32 s3;
	_ =	sdelay $0x1  }
0xa1: {  	s23 =	simm.s32 $0x1B8B  }
0xa2: {  	_ =	swait.ge [sflag:s23], $0x1  }
0xa3: {  	[sflag:s23] =	ssyncset.done $0x0  }
0xa4: {  	s25 =	simm.s32 $0x1B8E;
	s24 =	sld [smem:$0x3FFE];
	[sflag:s23] =	ssyncadd.s32 $0xFFFFFFFF  }
0xa5: {  	s26 =	simm.s32 $execute0_lowered;
	[smem:$0x3FD2] =	sst s25  }
0xa6: {  	s4 =	sshll.u32 s26, $0x1;
	_ =	strace $0x80000046;
	[dreg:$0x1] =	wrdreg $0xFFFFFFFF  }
0xa7: {  	s28 =	simm.s32 $_size_execute0_lowered;
	s2 =	sadd.s32 s2, s4;
	[dreg:$0x0] =	wrdreg $0x0  }
0xa8: {  	s4 =	sshll.u32 s28, $0x1;
	[dreg:$0x2] =	wrdreg s2  }
0xa9: {  	[dreg:$0x3] =	wrdreg s4  }
0xaa: {  	[dreg:$0x4] =	wrdreg $0xC0  }
0xab: {  	_ =	task [dreg:s6], $0x5FFFF  }
0xac: {  	[dreg:$0x1] =	wrdreg $0xFFFFFFFF  }
0xad: {  	[dreg:$0x0] =	wrdreg $0x60  }
0xae: {  	[dreg:$0x2] =	wrdreg s24  }
0xaf: {  	[dreg:$0x3] =	wrdreg $0x68000  }
0xb0: {  	[dreg:$0x4] =	wrdreg $0x9  }
0xb1: {  	_ =	task.clear_ibuf [dreg:s6], $0x5FFFF;
	_ =	strace $0x90000046  }
0xb2: {  	s29 =	simm.s32 $0x9;
	_ =	strace $0x80000048  }
0xb3: {  	_ =	swait.ge [sflag:s29], $0x1  }
0xb4: {  	[sflag:s29] =	ssyncadd.s32 $0xFFFFFFFF  }
0xb5: {  	_ =	strace $0x90000048  }
0xb6: {  	_ =	sfence  }
0xb7: {  	s30 =	sld [smem:$0x0];
	_ =	sdelay $0x2  }
0xb8: {  	s31 =	sshll.u32 s1, $0xD;
	s1 =	sshrl.u32 s1, $0x2  }
0xb9: {  	s3 =	sand.u32 $0x4000, s31;
	s1 =	sadd.s32 s1, s30  }
0xba: {  	s0 =	sor.u32 s3, s0;
	s1 =	sshll.u32 s1, $0x11  }
0xbb: {  	s0 =	sor.u32 s1, s0  }
0xbc: {  	s0 =	sadd.s32 $0x8F2B, s0  }
0xbd: {  	[sflag:s0] =	ssyncadd.remote.s32 $0x1  }
0xbe: {  	_ =	sfence.sel $0xFFFF  }
0xbf: {  	[dreg:$0x0] =	wrdreg $0xFFFFFFFF;
	(pc) =	sbr.abs _section_cstart, $3  }
0xc0: {  	[dreg:$0x1] =	wrdreg $0xFFFFFFFF  }
0xc1: {  	_ =	task.clear_ibuf [dreg:s6], $0x2FFFF;
	_ =	strace $0x9FFFFFFF  }
0xc2: {  	(tm) =	ssettm $0x7FFFFFFF  }
0xc3: {  	_ =	shalt  }
tec
execute0_lowered:
.L_overlay_start_1:
0x0: {  	(tag) =	ssettag $0x1  }
0x1: {  	s4 =	rddreg [dreg:$0x0]  }
0x2: {  	s0 =	srdreg.scid;
	s2 =	rddreg [dreg:$0x1]  }
0x3: {  	s1 =	rddreg [dreg:$0x2];
	s3 =	simm.s32 $0x0;
	s5 =	sand.u32 $0x1, s0  }
0x4: {  	s15 =	simm.s32 $0x2800;
	s0 =	stileid.u32;
	s6 =	smul.u32 $0x28000, s5  }
0x5: {  	s16 =	simm.s32 $0x2;
	s17 =	simm.s32 $0x7D;
	s7 =	smul.u32 $0x2800, s0  }
0x6: {  	s18 =	simm.s32 $0x1;
	[smem:$0x7FF] =	sst s3;
	s8 =	smul.u32 $0x140000, s5  }
0x7: {  	s30 =	smul.u32 $0x14000, s0;
	_ =	strace $0x80000047;
	s5 =	ssub.s32 $0x2, s5  }
0x8: {  	s31 =	smul.u32 $0x50000, s0;
	s19 =	sshll.u32 s0, $0x6;
	s9 =	sshrl.u32 s5, $0x1  }
0x9: {  	s19 =	sor.u32 $0x1C02, s19;
	s6 =	sadd.s32 s7, s6;
	s7 =	sadd.s32 s30, s8  }
0xa: {  	s9 =	ssub.s32 s5, s9;
	s6 =	sshrl.u32 s6, $0x3;
	s7 =	sshrl.u32 s7, $0x3  }
0xb: {  	s8 =	sshrl.u32 s31, $0x2;
	s6 =	sadd.s32 s6, s4;
	s7 =	sadd.s32 s7, s4  }
0xc: {  	s4 =	sadd.s32 $0x2800, s6;
	s5 =	sadd.s32 $0xC800, s7;
	s6 =	sadd.s32 s8, s2  }
0xd: {  	s7 =	smax.u32 s9, $0x1;
	s8 =	sadd.s32 $0x2800, s6;
	s9 =	sadd.s32 $0x5000, s6  }
0xe: {  	s10 =	sadd.s32 $0x7800, s6;
	s11 =	sadd.s32 $0xA000, s6;
	s12 =	sadd.s32 $0xC800, s6  }
0xf: {  	v0 =	vimm.f32 $0.0e+00;
	v1 =	vimm.f32 $1.000000000e+00;
	s13 =	sadd.s32 $0xF000, s6;
	s14 =	sadd.s32 $0x11800, s6;
	s20 =	sshrl.u32 s6, $0x3  }
.LBB2_1:
0x10: {  	s21 =	simm.s32 $0x200;
	s22 =	simm.s32 $0x0  }
.LBB2_2:
0x11: {  	p0 =	sne.s32 s21, $0xF800;
	[tilespmem:s22+$0x2800] =	vst v0;
	s22 =	smov.u32 s21;
	s21 =	sadd.s32 $0x200, s21  }
.Ltmp0:
0x12: {  	(pc) =	sbr.rel @p0 .LBB2_2-.Ltmp0, $2  }
0x13: {  	_ =	sdelay $0x2  }
0x14: {  	s22 =	sshra.s32 s22, $0x2  }
0x15: {  	[tilespmem:s22+$0x2800] =	vst v0  }
0x16: {  	[spmem:s6] =	stream.linear.scatter [tilespmem:s15], [sflag:$0x2], $0x2800, $0x38;
	[tilespmem:$0x9000] =	vst v63  }
0x17: {  	_ =	swait.ge [sflag:s16], $0x2800  }
0x18: {  	[sflag:s16] =	ssyncset.done $0x0  }
0x19: {  	[sflag:s16] =	ssyncadd.s32 $0xFFFFD800  }
0x1a: {  	[spmem:s8] =	stream.linear.scatter [tilespmem:s15], [sflag:$0x2], $0x2800, $0x38;
	[tilespmem:$0x9000] =	vst v63  }
0x1b: {  	_ =	swait.ge [sflag:s16], $0x2800  }
0x1c: {  	[sflag:s16] =	ssyncset.done $0x0  }
0x1d: {  	[sflag:s16] =	ssyncadd.s32 $0xFFFFD800  }
0x1e: {  	[spmem:s9] =	stream.linear.scatter [tilespmem:s15], [sflag:$0x2], $0x2800, $0x38;
	[tilespmem:$0x9000] =	vst v63  }
0x1f: {  	_ =	swait.ge [sflag:s16], $0x2800  }
0x20: {  	[sflag:s16] =	ssyncset.done $0x0  }
0x21: {  	[sflag:s16] =	ssyncadd.s32 $0xFFFFD800  }
0x22: {  	[spmem:s10] =	stream.linear.scatter [tilespmem:s15], [sflag:$0x2], $0x2800, $0x38;
	[tilespmem:$0x9000] =	vst v63  }
0x23: {  	_ =	swait.ge [sflag:s16], $0x2800  }
0x24: {  	[sflag:s16] =	ssyncset.done $0x0  }
0x25: {  	[sflag:s16] =	ssyncadd.s32 $0xFFFFD800  }
0x26: {  	[spmem:s11] =	stream.linear.scatter [tilespmem:s15], [sflag:$0x2], $0x2800, $0x38;
	[tilespmem:$0x9000] =	vst v63  }
0x27: {  	_ =	swait.ge [sflag:s16], $0x2800  }
0x28: {  	[sflag:s16] =	ssyncset.done $0x0  }
0x29: {  	[sflag:s16] =	ssyncadd.s32 $0xFFFFD800  }
0x2a: {  	[spmem:s12] =	stream.linear.scatter [tilespmem:s15], [sflag:$0x2], $0x2800, $0x38;
	[tilespmem:$0x9000] =	vst v63  }
0x2b: {  	_ =	swait.ge [sflag:s16], $0x2800  }
0x2c: {  	[sflag:s16] =	ssyncset.done $0x0  }
0x2d: {  	[sflag:s16] =	ssyncadd.s32 $0xFFFFD800  }
0x2e: {  	[spmem:s13] =	stream.linear.scatter [tilespmem:s15], [sflag:$0x2], $0x2800, $0x38;
	[tilespmem:$0x9000] =	vst v63  }
0x2f: {  	_ =	swait.ge [sflag:s16], $0x2800  }
0x30: {  	[sflag:s16] =	ssyncset.done $0x0  }
0x31: {  	[sflag:s16] =	ssyncadd.s32 $0xFFFFD800  }
0x32: {  	[spmem:s14] =	stream.linear.scatter [tilespmem:s15], [sflag:$0x2], $0x2800, $0x38;
	[tilespmem:$0x9000] =	vst v63  }
0x33: {  	_ =	swait.ge [sflag:s16], $0x2800  }
0x34: {  	[sflag:s16] =	ssyncset.done $0x0  }
0x35: {  	s21 =	simm.s32 $0x200;
	s22 =	simm.s32 $0x0;
	[sflag:s16] =	ssyncadd.s32 $0xFFFFD800  }
.LBB2_4:
0x36: {  	p0 =	sne.s32 s21, $0xF800;
	[tilespmem:s22+$0x2800] =	vst v1;
	s22 =	smov.u32 s21;
	s21 =	sadd.s32 $0x200, s21  }
.Ltmp1:
0x37: {  	(pc) =	sbr.rel @p0 .LBB2_4-.Ltmp1, $2  }
0x38: {  	_ =	sdelay $0x2  }
0x39: {  	s22 =	sshra.s32 s22, $0x2  }
0x3a: {  	[tilespmem:s22+$0x2800] =	vst v1;
	s21 =	simm.s32 $0x0  }
0x3b: {  	[tilespmem:s21], [sflag:$0x2] =	stream.linear.gather [hbm4b:s4+s21], $0x2800, $0x38;
	[tilespmem:$0x9000] =	vst v63  }
0x3c: {  	_ =	swait.ge [sflag:s16], $0x2800  }
0x3d: {  	[sflag:s16] =	ssyncset.done $0x0  }
0x3e: {  	[sflag:s16] =	ssyncadd.s32 $0xFFFFD800  }
0x3f: {  	[bflag:$0x0] =	sbarrier.arrive $0xFFFF  }
.LBB2_6:
0x40: {  	p0 =	sne.s32 s21, $0x9E00  }
.Ltmp2:
0x41: {  	_ = 	snop;
	(pc) =	sbr.rel @p0 .LBB2_6-.Ltmp2, $3  }
0x42: {  	_ =	sdelay $0x1  }
0x43: {  	s22 =	sshra.s32 s21, $0x2;
	s21 =	sadd.s32 $0x200, s21  }
0x44: {  	[spmem:s2] =	stream.indirect.scatter.add.f32 [tilespmem:s15], [sflag:$0x1], $0x10, s22, s17, $0xb8;
	[tilespmem:$0x9000] =	vst v63  }
0x45: {  	_ =	swait.ge [sflag:s18], $0x7D0  }
0x46: {  	s21 =	simm.s32 $0x4F;
	[sflag:s18] =	ssyncset.done $0x0  }
.LBB2_8:
0x47: {  	p0 =	sne.s32 s21, $0x1;
	s21 =	sadd.s32 $0xFFFFFFFF, s21;
	[sflag:s18] =	ssyncadd.s32 $0xFFFFF830  }
.Ltmp3:
0x48: {  	(pc) =	sbr.rel @p0 .LBB2_8-.Ltmp3, $3  }
0x49: {  	_ =	sdelay $0x1  }
0x4a: {  	_ =	swait.ge [sflag:s18], $0x7D0  }
0x4b: {  	[sflag:s18] =	ssyncset.done $0x0  }
0x4c: {  	s3 =	sadd.s32 $0x1, s3  }
0x4d: {  	[sflag:s18] =	ssyncadd.s32 $0xFFFFF830;
	p0 =	sne.s32 s3, s7  }
.Ltmp4:
0x4e: {  	[bflag:$0x0] =	sbarrier.arrive $0xFFFF;
	(pc) =	sbr.rel @p0 .LBB2_1-.Ltmp4, $4  }
0x4f: {  	[hbm:s5], [sflag:s19] =	dma.local [spmem:s20], $0x2800  }
0x50: {  	_ =	swait.ge [sflag:s16], $0x2800  }
0x51: {  	[sflag:s16] =	ssyncset.done $0x0  }
0x52: {  	[sflag:s16] =	ssyncadd.s32 $0xFFFFD800  }
0x53: {  	_ =	sfence.sel $0x180000  }
0x54: {  	[bflag:$0x0] =	sbarrier.arrive $0xFFFF  }
0x55: {  	p0 =	sne.s32 s0, $0x0;
	_ =	strace $0x90000047  }
0x56: {  	s0 =	sadd.s32 @!p0 $0x100000, s1;
	[bflag:$0x2] =	sbarrier.arrive $0xFFFF  }
0x57: {  	[sflag:s0] =	ssyncadd.tile.s32 @!p0 $0x1;
	_ =	shalt  }
.Lfunc_end2:
_tile_overlayer_lowered:
.L_overlay_start_2:
0x58: {  	(tag) =	ssettag $0x2  }
0x59: {  	s0 =	rddreg [dreg:$0x0];
	s2 =	stileid.u32  }
0x5a: {  	s1 =	rddreg [dreg:$0x1];
	p0 =	sne.s32 s2, $0x0  }
0x5b: {  	s3 =	rddreg [dreg:$0x2];
	[bflag:$0x3] =	sbarrier.arrive $0xFFFF;
	s2 =	simm.s32 @!p0 $0x1C02  }
0x5c: {  	[timem:s3], [sflag:s2] =	dma.local @!p0 [hbm:s0], s1  }
0x5d: {  	s0 =	simm.s32 @!p0 $0x2  }
0x5e: {  	_ =	swait.ge @!p0 [sflag:s0], s1  }
0x5f: {  	s1 =	ssub.s32 @!p0 $0x0, s1;
	[sflag:s0] =	ssyncset.done @!p0 $0x0  }
0x60: {  	[sflag:s0] =	ssyncadd.s32 @!p0 s1  }
0x61: {  	[bflag:$0x3] =	sbarrier.arrive $0xFFFF  }
0x62: {  	_ =	shalt  }

// kernel: sc_scale_aggregate.3.cloned.1.call-start
scs
__scs_entry_jumppad:
0x0: {  	(pc) =	sbr.rel $0x88, $3  }
0x1: {  	(tag) =	ssettag $0x0;
	lr =	simm.s32 $0x1  }
0x2: {  	[smem:$0x3F9B] =	sst lr;
	_ =	strace $0xD0000000  }
0x3: {  	_ = 	snop  }
0x4: {  	_ = 	snop  }
0x5: {  	_ = 	snop  }
0x6: {  	_ = 	snop  }
0x7: {  	_ = 	snop  }
__scs_overlays_trampoline_lowered:
0x8: {  	[smem:$0x3FAA] =	sst s0  }
0x9: {  	[smem:$0x3FAB] =	sst s1  }
0xa: {  	[smem:$0x3FAC] =	sst s2  }
0xb: {  	[smem:$0x3FAD] =	sst s3  }
0xc: {  	[smem:$0x3FAE] =	sst s4  }
0xd: {  	[smem:$0x3FAF] =	sst s5  }
0xe: {  	[smem:$0x3FB0] =	sst s6  }
0xf: {  	[smem:$0x3FB1] =	sst s7  }
0x10: {  	[smem:$0x3FB2] =	sst s8  }
0x11: {  	[smem:$0x3FB3] =	sst s9;
	s0 =	simm.s32 @!p0 $0x0  }
0x12: {  	s1 =	sld [smem:$0x3F99];
	s0 =	simm.s32 @p0 $0x1  }
0x13: {  	[smem:$0x3FB4] =	sst s0;
	s0 =	simm.s32 @!p1 $0x0  }
0x14: {  	s2 =	sld [smem:$0x3F98];
	s0 =	simm.s32 @p1 $0x1  }
0x15: {  	[smem:$0x3FB5] =	sst s0;
	s0 =	simm.s32 @!p2 $0x0  }
0x16: {  	s3 =	sld [smem:$0x3FDB];
	s0 =	simm.s32 @p2 $0x1  }
0x17: {  	s4 =	simm.s32 $0x1BF5;
	[smem:$0x3FB7] =	sst s0  }
0x18: {  	s0 =	sld [smem:$0x3F9A];
	_ =	swait.ge [sflag:s4], $0x0  }
0x19: {  	s7 =	sld [smem:$0x3F9B]  }
0x1a: {  	s8 =	sadd.s32 $0xFFFFE003, lr  }
0x1b: {  	s9 =	sadd.s32 $0xFFFFFEF7, lr;
	s5 =	simm.s32 $0xFFFFFFFF;
	p2 =	slt.u32 s8, $0xFFFFF086  }
0x1c: {  	p1 =	slt.u32 s9, $0xF7A;
	s5 =	simm.s32 @!p2 $0x0  }
0x1d: {  	s5 =	simm.s32 @p1 $0x1;
	p0 =	seq.s32 s7, s2  }
0x1e: {  	s7 =	smul.u32 @!p0 $0xF7A, s2;
	p2 =	seq.s32 @!p0 s5, $0x0  }
0x1f: {  	s9 =	smul.u32 $0xF7A, s1;
	s8 =	simm.s32 @!p0 $0x1BF5;
	p2 =	por !p2, p0  }
0x20: {  	[sflag:s8] =	ssyncset.s32 @!p0 $0xFFFFF086;
	s6 =	sadd.s32 @!p0 s3, s7;
	s7 =	simm.s32 @!p0 $0x108  }
0x21: {  	s3 =	sadd.s32 s3, s9;
	s6 =	sadd.s32 @!p0 $0x88, s6;
	s7 =	simm.s32 @p2 $0x1082  }
0x22: {  	[simem:s7], [sflag:s8] =	dma.local @!p0 [hbm:s6], $0xF7A  }
0x23: {  	s9 =	sor.u32 $0xD0000000, s2;
	s6 =	simm.s32 $0x108;
	_ =	swait.ge @!p0 [sflag:s8], $0x0  }
0x24: {  	s3 =	sadd.s32 $0x88, s3;
	s6 =	simm.s32 @!p1 $0x1082;
	[sflag:s4] =	ssyncset.s32 $0xFFFFF086  }
0x25: {  	[simem:s6], [sflag:s4] =	dma.local [hbm:s3], $0xF7A  }
0x26: {  	[smem:$0x3F9B] =	sst s1;
	(tag) =	ssettag s2;
	_ =	strace s9  }
0x27: {  	s1 =	sld [smem:$0x3FAB]  }
0x28: {  	s2 =	sld [smem:$0x3FAC]  }
0x29: {  	s4 =	sld [smem:$0x3FAE]  }
0x2a: {  	p0 =	seq.s32 s5, $0x0;
	s5 =	sld [smem:$0x3FAF]  }
0x2b: {  	s6 =	sld [smem:$0x3FB0]  }
0x2c: {  	s7 =	sld [smem:$0x3FB1]  }
0x2d: {  	s3 =	simm.s32 $0x108;
	s8 =	sld [smem:$0x3FB2]  }
0x2e: {  	s3 =	simm.s32 @!p0 $0x1082;
	s9 =	sld [smem:$0x3FB3]  }
0x2f: {  	lr =	sadd.s32 s0, s3;
	s0 =	sld [smem:$0x3FAA]  }
0x30: {  	s3 =	sld [smem:$0x3FAD]  }
0x31: {  	[smem:$0x3FB6] =	sst s10  }
0x32: {  	s10 =	sld [smem:$0x3FB4];
	_ =	sdelay $0x3  }
0x33: {  	p0 =	seq.s32 s10, $0x1;
	s10 =	sld [smem:$0x3FB6];
	_ =	sdelay $0x3  }
0x34: {  	[smem:$0x3FB6] =	sst s10  }
0x35: {  	s10 =	sld [smem:$0x3FB5];
	_ =	sdelay $0x3  }
0x36: {  	p1 =	seq.s32 s10, $0x1;
	s10 =	sld [smem:$0x3FB6];
	_ =	sdelay $0x3  }
0x37: {  	[smem:$0x3FB6] =	sst s10  }
0x38: {  	s10 =	sld [smem:$0x3FB7]  }
0x39: {  	_ = 	snop;
	(pc) =	sbr.ind lr, $3  }
0x3a: {  	_ = 	snop  }
0x3b: {  	_ = 	snop  }
0x3c: {  	p2 =	seq.s32 s10, $0x1;
	s10 =	sld [smem:$0x3FB6]  }
0x3d: {  	_ =	shalt  }
0x3e: {  	_ =	shalt  }
0x3f: {  	_ =	shalt  }
0x40: {  	_ =	shalt  }
0x41: {  	_ =	shalt  }
0x42: {  	_ =	shalt  }
0x43: {  	_ =	shalt  }
0x44: {  	_ =	shalt  }
0x45: {  	_ =	shalt  }
0x46: {  	_ =	shalt  }
0x47: {  	_ =	shalt  }
0x48: {  	_ =	shalt  }
0x49: {  	_ =	shalt  }
0x4a: {  	_ =	shalt  }
0x4b: {  	_ =	shalt  }
0x4c: {  	_ =	shalt  }
0x4d: {  	_ =	shalt  }
0x4e: {  	_ =	shalt  }
0x4f: {  	_ =	shalt  }
0x50: {  	_ =	shalt  }
0x51: {  	_ =	shalt  }
0x52: {  	_ =	shalt  }
0x53: {  	_ =	shalt  }
0x54: {  	_ =	shalt  }
0x55: {  	_ =	shalt  }
0x56: {  	_ =	shalt  }
0x57: {  	_ =	shalt  }
0x58: {  	_ =	shalt  }
0x59: {  	_ =	shalt  }
0x5a: {  	_ =	shalt  }
0x5b: {  	_ =	shalt  }
0x5c: {  	_ =	shalt  }
0x5d: {  	_ =	shalt  }
0x5e: {  	_ =	shalt  }
0x5f: {  	_ =	shalt  }
0x60: {  	_ =	shalt  }
0x61: {  	_ =	shalt  }
0x62: {  	_ =	shalt  }
0x63: {  	_ =	shalt  }
0x64: {  	_ =	shalt  }
0x65: {  	_ =	shalt  }
0x66: {  	_ =	shalt  }
0x67: {  	_ =	shalt  }
0x68: {  	_ =	shalt  }
0x69: {  	_ =	shalt  }
0x6a: {  	_ =	shalt  }
0x6b: {  	_ =	shalt  }
0x6c: {  	_ =	shalt  }
0x6d: {  	_ =	shalt  }
0x6e: {  	_ =	shalt  }
0x6f: {  	_ =	shalt  }
0x70: {  	_ =	shalt  }
0x71: {  	_ =	shalt  }
0x72: {  	_ =	shalt  }
0x73: {  	_ =	shalt  }
0x74: {  	_ =	shalt  }
0x75: {  	_ =	shalt  }
0x76: {  	_ =	shalt  }
0x77: {  	_ =	shalt  }
0x78: {  	_ =	shalt  }
0x79: {  	_ =	shalt  }
0x7a: {  	_ =	shalt  }
0x7b: {  	_ =	shalt  }
0x7c: {  	_ =	shalt  }
0x7d: {  	_ =	shalt  }
0x7e: {  	_ =	shalt  }
0x7f: {  	_ =	shalt  }
0x80: {  	_ =	shalt  }
0x81: {  	_ =	shalt  }
0x82: {  	_ =	shalt  }
0x83: {  	_ =	shalt  }
0x84: {  	_ =	shalt  }
0x85: {  	_ =	shalt  }
0x86: {  	_ =	shalt  }
0x87: {  	_ =	shalt  }
.Lfunc_end0:
.L_simem_size_0:
called_computation.1_lowered:
.L_overlay_start_0:
0x88: {  	s2 =	sld [smem:$0x3FD9]  }
0x89: {  	s3 =	sld [smem:$0x3FFE];
	_ =	sdelay $0x1  }
0x8a: {  	s1 =	srdreg.scid  }
0x8b: {  	s0 =	sand.u32 $0x1, s1  }
0x8c: {  	s14 =	sshll.u32 s0, $0xA;
	s2 =	sadd.s32 s3, s2  }
0x8d: {  	s2 =	sadd.s32 s2, s14  }
0x8e: {  	[smem:$0x3FC2] =	sst s2  }
0x8f: {  	_ = 	snop  }
0x90: {  	s2 =	sld [smem:$0x3FD0];
	_ =	sdelay $0x2  }
0x91: {  	s15 =	simm.s32 $0xA;
	s4 =	simm.s32 $0x10  }
0x92: {  	[smem:s4], [sflag:s15] =	dma.local [hbm:s2], $0x1  }
0x93: {  	_ =	swait.eq [sflag:s15], $0x1  }
0x94: {  	[sflag:s15] =	ssyncset.done $0x0  }
0x95: {  	s16 =	sld [smem:$0x10];
	[sflag:s15] =	ssyncadd.s32 $0xFFFFFFFF  }
0x96: {  	s17 =	sld [smem:$0x11];
	(tm) =	ssettm $0x1  }
0x97: {  	s18 =	sld [smem:$0x3FFB];
	_ =	sdelay $0x3  }
0x98: {  	_ =	strace s18  }
0x99: {  	s4 =	sld [smem:$0x3FFC];
	_ =	sdelay $0x3  }
0x9a: {  	_ =	strace s4  }
0x9b: {  	s4 =	sld [smem:$0x3FFD];
	_ =	sdelay $0x3  }
0x9c: {  	_ =	strace s4  }
0x9d: {  	_ =	strace $0x8FFFFFFF  }
0x9e: {  	s19 =	sld [smem:$0x3FDB];
	_ =	sdelay $0x1  }
0x9f: {  	s5 =	simm.s32 $_scs_section_size  }
0xa0: {  	s6 =	simm.s32 $_size__tile_overlayer_lowered;
	s7 =	simm.s32 $_tile_overlayer_lowered  }
0xa1: {  	s22 =	simm.s32 $0x1BFF;
	s21 =	sshll.u32 s7, $0x1;
	s4 =	sadd.s32 s5, s19  }
0xa2: {  	s8 =	simm.s32 $0x0;
	s20 =	sshll.u32 s6, $0x1;
	s6 =	sadd.s32 s21, s4  }
0xa3: {  	[timem:s8], [sflag:s22] =	dma.local [hbm:s6], s20  }
0xa4: {  	_ =	swait.ge [sflag:s22], s20  }
0xa5: {  	s5 =	ssub.s32 $0x0, s20;
	[sflag:s22] =	ssyncset.done $0x0  }
0xa6: {  	[sflag:s22] =	ssyncadd.s32 s5;
	_ =	sdelay $0x1  }
0xa7: {  	s23 =	simm.s32 $0x1B8B  }
0xa8: {  	_ =	swait.ge [sflag:s23], $0x1  }
0xa9: {  	[sflag:s23] =	ssyncset.done $0x0  }
0xaa: {  	s25 =	simm.s32 $0x1B8E;
	s24 =	sld [smem:$0x3FFE];
	[sflag:s23] =	ssyncadd.s32 $0xFFFFFFFF  }
0xab: {  	s26 =	simm.s32 $execute0_lowered;
	[smem:$0x3FD2] =	sst s25  }
0xac: {  	s6 =	sshll.u32 s26, $0x1;
	_ =	strace $0x80000049;
	[dreg:$0x1] =	wrdreg $0xFFFFFFFF  }
0xad: {  	s28 =	simm.s32 $_size_execute0_lowered;
	s4 =	sadd.s32 s4, s6;
	[dreg:$0x0] =	wrdreg $0x0  }
0xae: {  	s6 =	sshll.u32 s28, $0x1;
	[dreg:$0x2] =	wrdreg s4  }
0xaf: {  	[dreg:$0x3] =	wrdreg s6  }
0xb0: {  	[dreg:$0x4] =	wrdreg $0xC0  }
0xb1: {  	_ =	task [dreg:s8], $0x5FFFF  }
0xb2: {  	[dreg:$0x1] =	wrdreg $0xFFFFFFFF  }
0xb3: {  	[dreg:$0x0] =	wrdreg $0x60  }
0xb4: {  	[dreg:$0x2] =	wrdreg s16  }
0xb5: {  	[dreg:$0x3] =	wrdreg s24  }
0xb6: {  	[dreg:$0x4] =	wrdreg s17  }
0xb7: {  	[dreg:$0x5] =	wrdreg $0x145000  }
0xb8: {  	[dreg:$0x6] =	wrdreg $0x9  }
0xb9: {  	_ =	task.clear_ibuf [dreg:s8], $0x7FFFF;
	_ =	strace $0x90000049  }
0xba: {  	s29 =	simm.s32 $0x9;
	_ =	strace $0x8000004B  }
0xbb: {  	_ =	swait.ge [sflag:s29], $0x1  }
0xbc: {  	[sflag:s29] =	ssyncadd.s32 $0xFFFFFFFF  }
0xbd: {  	_ =	strace $0x9000004B  }
0xbe: {  	_ =	sfence  }
0xbf: {  	s30 =	sld [smem:$0x0];
	_ =	sdelay $0x2  }
0xc0: {  	s31 =	sshll.u32 s1, $0xD;
	s1 =	sshrl.u32 s1, $0x2  }
0xc1: {  	s3 =	sand.u32 $0x4000, s31;
	s1 =	sadd.s32 s1, s30  }
0xc2: {  	s0 =	sor.u32 s3, s0;
	s1 =	sshll.u32 s1, $0x11  }
0xc3: {  	s0 =	sor.u32 s1, s0  }
0xc4: {  	s0 =	sadd.s32 $0x8F2B, s0  }
0xc5: {  	[sflag:s0] =	ssyncadd.remote.s32 $0x1  }
0xc6: {  	_ =	sfence.sel $0xFFFF  }
0xc7: {  	[dreg:$0x0] =	wrdreg $0xFFFFFFFF;
	(pc) =	sbr.abs _section_cstart, $3  }
0xc8: {  	[dreg:$0x1] =	wrdreg $0xFFFFFFFF  }
0xc9: {  	_ =	task.clear_ibuf [dreg:s8], $0x2FFFF;
	_ =	strace $0x9FFFFFFF  }
0xca: {  	(tm) =	ssettm $0x7FFFFFFF  }
0xcb: {  	_ =	shalt  }
tec
execute0_lowered:
.L_overlay_start_1:
0x0: {  	(tag) =	ssettag $0x1  }
0x1: {  	s0 =	srdreg.scid;
	s1 =	rddreg [dreg:$0x0]  }
0x2: {  	s16 =	stileid.u32;
	s4 =	rddreg [dreg:$0x1]  }
0x3: {  	s7 =	rddreg [dreg:$0x2];
	s5 =	smul.u32 $0x2800, s16  }
0x4: {  	s2 =	rddreg [dreg:$0x3];
	s3 =	simm.s32 $0x0;
	s8 =	smul.u32 $0xA000, s16  }
0x5: {  	s30 =	simm.s32 $0x8;
	s31 =	simm.s32 $0x6;
	s14 =	smul.u32 $0x280, s16  }
0x6: {  	s28 =	simm.s32 $0x0;
	s0 =	sand.u32 $0x1, s0;
	s21 =	smul.u32 $0x28000, s16  }
0x7: {  	[smem:$0x7FF] =	sst s3;
	s12 =	sadd.s32 $0x2800, s4;
	s6 =	smul.u32 $0x28000, s0  }
0x8: {  	s9 =	smul.u32 $0xA0000, s0;
	_ =	strace $0x8000004A;
	s11 =	ssub.s32 $0x2, s0  }
0x9: {  	p0 =	seq.s32 s0, $0x0;
	p1 =	sne.s32 s0, $0x0;
	s0 =	simm.s32 $0x7  }
0xa: {  	s13 =	sshrl.u32 s11, $0x1;
	s15 =	sshrl.u32 s8, $0x3;
	s17 =	sadd.s32 $0x140, s14  }
0xb: {  	s24 =	sshrl.u32 s21, $0x2;
	s14 =	simm.s32 $0x2;
	s6 =	sadd.s32 s5, s6  }
0xc: {  	s9 =	sadd.s32 s8, s9;
	s5 =	sshrl.u32 s5, $0x3;
	s13 =	ssub.s32 s11, s13  }
0xd: {  	s26 =	sadd.s32 s7, s15;
	s19 =	sshll.u32 s17, $0x1;
	s20 =	sshll.u32 s17, $0x3  }
0xe: {  	s6 =	sshrl.u32 s6, $0x3;
	s9 =	sshrl.u32 s9, $0x3;
	s5 =	sadd.s32 s12, s5  }
0xf: {  	[dreg:$0x5] =	wrdreg s26;
	s12 =	sadd.s32 s12, s19;
	s7 =	sadd.s32 s7, s20  }
0x10: {  	s26 =	smax.u32 s13, $0x1;
	s19 =	sadd.s32 s24, s2;
	s13 =	simm.s32 $0x1  }
0x11: {  	s10 =	sadd.s32 s6, s4;
	s9 =	sadd.s32 s9, s4;
	s4 =	sadd.s32 $0x66800, s4  }
0x12: {  	s29 =	sadd.s32 $0x5000, s5;
	s1 =	sadd.s32 s1, s6;
	[dreg:$0xa] =	wrdreg s7  }
0x13: {  	s22 =	sadd.s32 $0x5000, s12;
	[dreg:$0xe] =	wrdreg s26;
	s24 =	sadd.s32 $0x7800, s19  }
0x14: {  	s26 =	simm.s32 $0x7800;
	s6 =	simm.s32 $0x7D;
	[dreg:$0x6] =	wrdreg s29  }
0x15: {  	s7 =	simm.s32 $0xC800;
	[dreg:$0x7] =	wrdreg s1;
	s11 =	sadd.s32 $0x5C800, s10  }
0x16: {  	s18 =	sadd.s32 s4, s15;
	[dreg:$0xb] =	wrdreg s22;
	s1 =	sshll.u32 s17, $0x6  }
0x17: {  	s23 =	sadd.s32 s4, s20;
	s25 =	sadd.s32 $0x7A800, s9;
	s29 =	sadd.s32 $0x2800, s19  }
0x18: {  	s22 =	sadd.s32 $0x3C00, s19;
	s9 =	simm.s32 $0x10680;
	[dreg:$0x8] =	wrdreg s11  }
0x19: {  	s10 =	simm.s32 $0x125C0;
	s15 =	simm.s32 $0x3;
	[dreg:$0x9] =	wrdreg s18  }
0x1a: {  	s17 =	simm.s32 $0x4;
	s11 =	sadd.s32 s8, s2;
	[dreg:$0xc] =	wrdreg s23  }
0x1b: {  	s16 =	sadd.s32 s1, s2;
	[dreg:$0xd] =	wrdreg s25;
	s1 =	sadd.s32 $0x1400, s19  }
0x1c: {  	[dreg:$0x10] =	wrdreg s29;
	s23 =	sadd.s32 $0x6400, s19;
	s25 =	sadd.s32 $0x8C00, s19  }
0x1d: {  	v0 =	vimm.f32 $0.0e+00;
	s8 =	simm.s32 $0xE740;
	[dreg:$0xf] =	wrdreg s1;
	s1 =	simm.s32 $0x5  }
.LBB2_1:
0x1e: {  	s20 =	simm.s32 $0x100;
	s18 =	simm.s32 $0x0  }
.LBB2_2:
0x1f: {  	p2 =	sne.s32 s20, $0x7C00;
	[tilespmem:s18+$0xC830] =	vst v0;
	s21 =	smov.u32 s20;
	s20 =	sadd.s32 $0x100, s20  }
.Ltmp0:
0x20: {  	[tilespmem:s18+$0xC820] =	vst v0;
	(pc) =	sbr.rel @p2 .LBB2_2-.Ltmp0, $3  }
0x21: {  	[tilespmem:s18+$0xC800] =	vst v0  }
0x22: {  	[tilespmem:s18+$0xC810] =	vst v0;
	_ =	sdelay $0x1  }
0x23: {  	s18 =	sshra.s32 s21, $0x2  }
0x24: {  	[tilespmem:s18+$0xC830] =	vst v0  }
0x25: {  	[tilespmem:s18+$0xC820] =	vst v0  }
0x26: {  	[tilespmem:s18+$0xC800] =	vst v0  }
0x27: {  	[tilespmem:s18+$0xC810] =	vst v0;
	s18 =	simm.s32 @!p0 $0xC800;
	s20 =	simm.s32 @!p0 $0x8  }
0x28: {  	[spmem:s19] =	stream.linear.scatter @!p0 [tilespmem:s18], [sflag:$0x8], $0x1400, $0x38;
	[tilespmem:$0x1E500] =	vst v63  }
0x29: {  	_ =	swait.ge @!p0 [sflag:s20], $0x1400  }
0x2a: {  	[sflag:s20] =	ssyncset.done @!p0 $0x0  }
0x2b: {  	s21 =	rddreg [dreg:$0xf];
	[sflag:s20] =	ssyncadd.s32 @!p0 $0xFFFFEC00  }
0x2c: {  	[spmem:s21] =	stream.linear.scatter @!p0 [tilespmem:s18], [sflag:$0x8], $0x1400, $0x38;
	[tilespmem:$0x1E500] =	vst v63  }
0x2d: {  	_ =	swait.ge @!p0 [sflag:s20], $0x1400  }
0x2e: {  	[sflag:s20] =	ssyncset.done @!p0 $0x0  }
0x2f: {  	s21 =	rddreg [dreg:$0x10];
	[sflag:s20] =	ssyncadd.s32 @!p0 $0xFFFFEC00  }
0x30: {  	[spmem:s21] =	stream.linear.scatter @!p0 [tilespmem:s18], [sflag:$0x8], $0x1400, $0x38;
	[tilespmem:$0x1E500] =	vst v63  }
0x31: {  	_ =	swait.ge @!p0 [sflag:s20], $0x1400  }
0x32: {  	[sflag:s20] =	ssyncset.done @!p0 $0x0  }
0x33: {  	[sflag:s20] =	ssyncadd.s32 @!p0 $0xFFFFEC00  }
0x34: {  	[spmem:s22] =	stream.linear.scatter @!p0 [tilespmem:s18], [sflag:$0x8], $0x1400, $0x38;
	[tilespmem:$0x1E500] =	vst v63  }
0x35: {  	_ =	swait.ge @!p0 [sflag:s20], $0x1400  }
0x36: {  	[sflag:s20] =	ssyncset.done @!p0 $0x0  }
0x37: {  	[sflag:s20] =	ssyncadd.s32 @!p0 $0xFFFFEC00  }
0x38: {  	[spmem:s16] =	stream.linear.scatter @!p0 [tilespmem:s18], [sflag:$0x8], $0x1400, $0x38;
	[tilespmem:$0x1E500] =	vst v63  }
0x39: {  	_ =	swait.ge @!p0 [sflag:s20], $0x1400  }
0x3a: {  	[sflag:s20] =	ssyncset.done @!p0 $0x0  }
0x3b: {  	[sflag:s20] =	ssyncadd.s32 @!p0 $0xFFFFEC00  }
0x3c: {  	[spmem:s23] =	stream.linear.scatter @!p0 [tilespmem:s18], [sflag:$0x8], $0x1400, $0x38;
	[tilespmem:$0x1E500] =	vst v63  }
0x3d: {  	_ =	swait.ge @!p0 [sflag:s20], $0x1400  }
0x3e: {  	[sflag:s20] =	ssyncset.done @!p0 $0x0  }
0x3f: {  	[sflag:s20] =	ssyncadd.s32 @!p0 $0xFFFFEC00  }
0x40: {  	[spmem:s24] =	stream.linear.scatter @!p0 [tilespmem:s18], [sflag:$0x8], $0x1400, $0x38;
	[tilespmem:$0x1E500] =	vst v63  }
0x41: {  	_ =	swait.ge @!p0 [sflag:s20], $0x1400  }
0x42: {  	[sflag:s20] =	ssyncset.done @!p0 $0x0  }
0x43: {  	[sflag:s20] =	ssyncadd.s32 @!p0 $0xFFFFEC00  }
0x44: {  	[spmem:s25] =	stream.linear.scatter @!p0 [tilespmem:s18], [sflag:$0x8], $0x1400, $0x38;
	[tilespmem:$0x1E500] =	vst v63  }
0x45: {  	_ =	swait.ge @!p0 [sflag:s20], $0x1400  }
0x46: {  	[sflag:s20] =	ssyncset.done @!p0 $0x0  }
0x47: {  	[sflag:s20] =	ssyncadd.s32 @!p0 $0xFFFFEC00;
	s20 =	rddreg [dreg:$0x5]  }
0x48: {  	[tilespmem:s26], [sflag:$0x5] =	stream.linear.gather [hbm4b:s20+s3], $0x5000, $0x38;
	[tilespmem:$0x1E500] =	vst v63  }
0x49: {  	s21 =	simm.s32 $0x5000  }
0x4a: {  	[tilespmem:s21], [sflag:$0x6] =	stream.linear.gather [hbm4b:s5+s3], $0x1400, $0x38;
	[tilespmem:$0x1E500] =	vst v63  }
0x4b: {  	s20 =	rddreg [dreg:$0x6];
	s21 =	simm.s32 $0x6400  }
0x4c: {  	[tilespmem:s21], [sflag:$0x7] =	stream.linear.gather [hbm4b:s20+s3], $0x1400, $0x38;
	[tilespmem:$0x1E500] =	vst v63  }
0x4d: {  	s21 =	rddreg [dreg:$0x7]  }
0x4e: {  	[tilespmem:s3], [sflag:$0x8] =	stream.linear.gather [hbm4b:s21+s3], $0x2800, $0x38;
	[tilespmem:$0x1E500] =	vst v63  }
0x4f: {  	_ =	swait.ge [sflag:s30], $0x2800  }
0x50: {  	[sflag:s30] =	ssyncset.done $0x0  }
0x51: {  	s21 =	simm.s32 $0x2800;
	s20 =	rddreg [dreg:$0x8];
	[sflag:s30] =	ssyncadd.s32 $0xFFFFD800  }
0x52: {  	[tilespmem:s21], [sflag:$0x8] =	stream.linear.gather [hbm4b:s20+s3], $0x2800, $0x38;
	[tilespmem:$0x1E500] =	vst v63  }
0x53: {  	_ =	swait.ge [sflag:s30], $0x2800  }
0x54: {  	[sflag:s30] =	ssyncset.done $0x0  }
0x55: {  	[sflag:s30] =	ssyncadd.s32 $0xFFFFD800  }
0x56: {  	_ =	swait.ge [sflag:s1], $0x5000  }
0x57: {  	[sflag:s1] =	ssyncset.done $0x0  }
0x58: {  	[sflag:s1] =	ssyncadd.s32 $0xFFFFB000  }
0x59: {  	_ =	swait.ge [sflag:s31], $0x1400  }
0x5a: {  	[sflag:s31] =	ssyncset.done $0x0  }
0x5b: {  	[sflag:s31] =	ssyncadd.s32 $0xFFFFEC00  }
0x5c: {  	_ =	swait.ge [sflag:s0], $0x1400  }
0x5d: {  	[sflag:s0] =	ssyncset.done $0x0  }
0x5e: {  	s21 =	simm.s32 $0xFFFFEC00;
	[sflag:s0] =	ssyncadd.s32 $0xFFFFEC00  }
0x5f: {  	v1 =	vld [tilespmem:s21+$0x6400]  }
0x60: {  	v2 =	vld [tilespmem:s21+$0x7800];
	_ =	sdelay $0x4  }
0x61: {  	v1 =	vadd.f32 v2, v1;
	_ =	sdelay $0x1  }
0x62: {  	v1 =	vadd.f32 $1.000000000e+00, v1;
	_ =	sdelay $0x1  }
0x63: {  	v2 =	vshra.s32 v1, $0x1;
	v1 =	vmul.f32 $5.000000000e-01, v1  }
0x64: {  	v2 =	vsub.s32 $0x5F3759DF, v2  }
0x65: {  	v3 =	vmul.f32 v2, v1;
	_ =	sdelay $0x1  }
0x66: {  	v3 =	vmul.f32 v2, v3;
	_ =	sdelay $0x1  }
0x67: {  	v3 =	vsub.f32 $1.500000000e+00, v3;
	_ =	sdelay $0x1  }
0x68: {  	v2 =	vmul.f32 v2, v3;
	_ =	sdelay $0x1  }
0x69: {  	v3 =	vmul.f32 v2, v1;
	_ =	sdelay $0x1  }
0x6a: {  	v3 =	vmul.f32 v3, v2;
	_ =	sdelay $0x1  }
0x6b: {  	v3 =	vsub.f32 $1.500000000e+00, v3;
	_ =	sdelay $0x1  }
0x6c: {  	v2 =	vmul.f32 v3, v2;
	_ =	sdelay $0x1  }
0x6d: {  	v1 =	vmul.f32 v2, v1;
	_ =	sdelay $0x1  }
0x6e: {  	s18 =	simm.s32 $0x7840;
	v1 =	vmul.f32 v1, v2  }
0x6f: {  	v3 =	vld [tilespmem:s18+$0xFFFFFFF0]  }
0x70: {  	v4 =	vld [tilespmem:s18+$0xFFFFFFC0];
	v1 =	vsub.f32 $1.500000000e+00, v1  }
0x71: {  	v5 =	vld [tilespmem:s18+$0xFFFFFFD0]  }
0x72: {  	v6 =	vld [tilespmem:s18+$0xFFFFFFE0];
	v1 =	vmul.f32 v1, v2;
	_ =	sdelay $0x1  }
0x73: {  	v2 =	vmul.f32 v1, v3  }
0x74: {  	v3 =	vmul.f32 v1, v4  }
0x75: {  	v4 =	vmul.f32 v1, v5;
	[tilespmem:s18+$0xFFFFFFF0] =	vst v2  }
0x76: {  	v1 =	vmul.f32 v1, v6;
	[tilespmem:s18+$0xFFFFFFC0] =	vst v3  }
0x77: {  	[tilespmem:s18+$0xFFFFFFD0] =	vst v4  }
0x78: {  	[tilespmem:s18+$0xFFFFFFE0] =	vst v1  }
0x79: {  	v1 =	vld [tilespmem:s21+$0x6410]  }
0x7a: {  	v2 =	vld [tilespmem:s21+$0x7810];
	_ =	sdelay $0x4  }
0x7b: {  	v1 =	vadd.f32 v2, v1;
	_ =	sdelay $0x1  }
0x7c: {  	v1 =	vadd.f32 $1.000000000e+00, v1;
	_ =	sdelay $0x1  }
0x7d: {  	v2 =	vshra.s32 v1, $0x1;
	v3 =	vmul.f32 $5.000000000e-01, v1  }
0x7e: {  	v1 =	vsub.s32 $0x5F3759DF, v2  }
0x7f: {  	v2 =	vmul.f32 v1, v3;
	_ =	sdelay $0x1  }
0x80: {  	v2 =	vmul.f32 v1, v2;
	_ =	sdelay $0x1  }
0x81: {  	v2 =	vsub.f32 $1.500000000e+00, v2;
	_ =	sdelay $0x1  }
0x82: {  	v1 =	vmul.f32 v1, v2;
	_ =	sdelay $0x1  }
0x83: {  	v2 =	vmul.f32 v1, v3;
	_ =	sdelay $0x1  }
0x84: {  	v2 =	vmul.f32 v2, v1;
	_ =	sdelay $0x1  }
0x85: {  	v2 =	vsub.f32 $1.500000000e+00, v2;
	_ =	sdelay $0x1  }
0x86: {  	v1 =	vmul.f32 v2, v1;
	_ =	sdelay $0x1  }
0x87: {  	v2 =	vmul.f32 v1, v3  }
0x88: {  	v4 =	vld [tilespmem:s18+$0x10]  }
0x89: {  	v3 =	vld [tilespmem:s18+$0x0];
	v5 =	vmul.f32 v2, v1  }
0x8a: {  	v2 =	vld [tilespmem:s18+$0x30]  }
0x8b: {  	s29 =	simm.s32 $0x7840;
	s20 =	simm.s32 $0xFFFFB080;
	v6 =	vsub.f32 $1.500000000e+00, v5;
	v5 =	vld [tilespmem:s18+$0x20]  }
.LBB2_4:
0x8c: {  	p2 =	sne.s32 s20, $0xFFFFFF80  }
0x8d: {  	s18 =	sadd.s32 $0x80, s18;
	s21 =	smov.u32 s20;
	s20 =	sadd.s32 $0x80, s20  }
0x8e: {  	v1 =	vmul.f32 v6, v1;
	_ =	sdelay $0x1  }
0x8f: {  	v3 =	vmul.f32 v1, v3;
	v4 =	vmul.f32 v1, v4  }
0x90: {  	v5 =	vmul.f32 v1, v5;
	v1 =	vmul.f32 v1, v2  }
0x91: {  	[tilespmem:s29+$0x0] =	vst v3  }
0x92: {  	[tilespmem:s29+$0x10] =	vst v4  }
0x93: {  	[tilespmem:s29+$0x30] =	vst v1  }
0x94: {  	s21 =	sshra.s32 s21, $0x2;
	[tilespmem:s29+$0x20] =	vst v5;
	s29 =	smov.u32 s18  }
0x95: {  	v1 =	vld [tilespmem:s21+$0x6400]  }
0x96: {  	v2 =	vld [tilespmem:s21+$0x7800];
	_ =	sdelay $0x4  }
0x97: {  	v1 =	vadd.f32 v2, v1;
	_ =	sdelay $0x1  }
0x98: {  	v1 =	vadd.f32 $1.000000000e+00, v1;
	_ =	sdelay $0x1  }
0x99: {  	v2 =	vshra.s32 v1, $0x1;
	v1 =	vmul.f32 $5.000000000e-01, v1  }
0x9a: {  	v2 =	vsub.s32 $0x5F3759DF, v2  }
0x9b: {  	v3 =	vmul.f32 v2, v1;
	_ =	sdelay $0x1  }
0x9c: {  	v3 =	vmul.f32 v2, v3;
	_ =	sdelay $0x1  }
0x9d: {  	v3 =	vsub.f32 $1.500000000e+00, v3;
	_ =	sdelay $0x1  }
0x9e: {  	v2 =	vmul.f32 v2, v3;
	_ =	sdelay $0x1  }
0x9f: {  	v3 =	vmul.f32 v2, v1;
	_ =	sdelay $0x1  }
0xa0: {  	v3 =	vmul.f32 v3, v2;
	_ =	sdelay $0x1  }
0xa1: {  	v3 =	vsub.f32 $1.500000000e+00, v3;
	_ =	sdelay $0x1  }
0xa2: {  	v2 =	vmul.f32 v3, v2;
	_ =	sdelay $0x1  }
0xa3: {  	v1 =	vmul.f32 v2, v1  }
0xa4: {  	v3 =	vld [tilespmem:s18+$0xFFFFFFE0]  }
0xa5: {  	v1 =	vmul.f32 v1, v2;
	v4 =	vld [tilespmem:s18+$0xFFFFFFF0]  }
0xa6: {  	v5 =	vld [tilespmem:s18+$0xFFFFFFC0]  }
0xa7: {  	v1 =	vsub.f32 $1.500000000e+00, v1;
	v6 =	vld [tilespmem:s18+$0xFFFFFFD0];
	_ =	sdelay $0x1  }
0xa8: {  	v1 =	vmul.f32 v1, v2;
	_ =	sdelay $0x1  }
0xa9: {  	v2 =	vmul.f32 v1, v5;
	v4 =	vmul.f32 v1, v4  }
0xaa: {  	v5 =	vmul.f32 v1, v6;
	v1 =	vmul.f32 v1, v3  }
0xab: {  	[tilespmem:s18+$0xFFFFFFF0] =	vst v4  }
0xac: {  	[tilespmem:s18+$0xFFFFFFC0] =	vst v2  }
0xad: {  	[tilespmem:s18+$0xFFFFFFD0] =	vst v5  }
0xae: {  	[tilespmem:s18+$0xFFFFFFE0] =	vst v1  }
0xaf: {  	v1 =	vld [tilespmem:s21+$0x6410]  }
0xb0: {  	v2 =	vld [tilespmem:s21+$0x7810];
	_ =	sdelay $0x4  }
0xb1: {  	v1 =	vadd.f32 v2, v1;
	_ =	sdelay $0x1  }
0xb2: {  	v1 =	vadd.f32 $1.000000000e+00, v1;
	_ =	sdelay $0x1  }
0xb3: {  	v2 =	vshra.s32 v1, $0x1;
	v3 =	vmul.f32 $5.000000000e-01, v1  }
0xb4: {  	v1 =	vsub.s32 $0x5F3759DF, v2  }
0xb5: {  	v2 =	vmul.f32 v1, v3;
	_ =	sdelay $0x1  }
0xb6: {  	v2 =	vmul.f32 v1, v2;
	_ =	sdelay $0x1  }
0xb7: {  	v2 =	vsub.f32 $1.500000000e+00, v2;
	_ =	sdelay $0x1  }
0xb8: {  	v1 =	vmul.f32 v1, v2;
	_ =	sdelay $0x1  }
0xb9: {  	v2 =	vmul.f32 v1, v3;
	_ =	sdelay $0x1  }
0xba: {  	v2 =	vmul.f32 v2, v1;
	_ =	sdelay $0x1  }
0xbb: {  	v2 =	vsub.f32 $1.500000000e+00, v2;
	_ =	sdelay $0x1  }
0xbc: {  	v1 =	vmul.f32 v2, v1;
	_ =	sdelay $0x1  }
.Ltmp1:
0xbd: {  	v2 =	vmul.f32 v1, v3;
	(pc) =	sbr.rel @p2 .LBB2_4-.Ltmp1, $4  }
0xbe: {  	v3 =	vld [tilespmem:s18+$0x0]  }
0xbf: {  	v5 =	vmul.f32 v2, v1;
	v2 =	vld [tilespmem:s18+$0x30]  }
0xc0: {  	v4 =	vld [tilespmem:s18+$0x10]  }
0xc1: {  	v6 =	vsub.f32 $1.500000000e+00, v5;
	v5 =	vld [tilespmem:s18+$0x20]  }
0xc2: {  	_ = 	snop  }
0xc3: {  	v1 =	vmul.f32 v6, v1;
	_ =	sdelay $0x1  }
0xc4: {  	v3 =	vmul.f32 v1, v3  }
0xc5: {  	v4 =	vmul.f32 v1, v4  }
0xc6: {  	v2 =	vmul.f32 v1, v2;
	[tilespmem:s29+$0x0] =	vst v3  }
0xc7: {  	v1 =	vmul.f32 v1, v5;
	[tilespmem:s29+$0x10] =	vst v4  }
0xc8: {  	[tilespmem:s29+$0x30] =	vst v2  }
0xc9: {  	s18 =	rddreg [dreg:$0x9];
	[tilespmem:s29+$0x20] =	vst v1  }
0xca: {  	[hbm4b:s18+s3] =	stream.linear.scatter [tilespmem:s26], [sflag:$0x8], $0x5000, $0x38;
	[tilespmem:$0x1E500] =	vst v63  }
0xcb: {  	_ =	swait.ge [sflag:s30], $0x5000  }
0xcc: {  	[sflag:s30] =	ssyncset.done $0x0  }
0xcd: {  	s18 =	simm.s32 @!p1 $0x7800;
	[sflag:s30] =	ssyncadd.s32 $0xFFFFB000  }
0xce: {  	[spmem:s11] =	stream.linear.scatter @!p1 [tilespmem:s18], [sflag:$0x8], $0x5000, $0x38;
	[tilespmem:$0x1E500] =	vst v63  }
0xcf: {  	s18 =	simm.s32 @!p1 $0x8  }
0xd0: {  	_ =	swait.ge @!p1 [sflag:s18], $0x5000  }
0xd1: {  	[sflag:s18] =	ssyncset.done @!p1 $0x0  }
0xd2: {  	s21 =	rddreg [dreg:$0xa];
	[sflag:s18] =	ssyncadd.s32 @!p1 $0xFFFFB000  }
0xd3: {  	[tilespmem:s26], [sflag:$0x5] =	stream.linear.gather [hbm4b:s21+s3], $0x5000, $0x38;
	[tilespmem:$0x1E500] =	vst v63  }
0xd4: {  	s20 =	simm.s32 $0x5000  }
0xd5: {  	[tilespmem:s20], [sflag:$0x6] =	stream.linear.gather [hbm4b:s12+s3], $0x1400, $0x38;
	[tilespmem:$0x1E500] =	vst v63  }
0xd6: {  	s21 =	rddreg [dreg:$0xb];
	s20 =	simm.s32 $0x6400  }
0xd7: {  	[tilespmem:s20], [sflag:$0x7] =	stream.linear.gather [hbm4b:s21+s3], $0x1400, $0x38;
	[tilespmem:$0x1E500] =	vst v63  }
0xd8: {  	_ =	swait.ge [sflag:s1], $0x5000  }
0xd9: {  	[sflag:s1] =	ssyncset.done $0x0  }
0xda: {  	[sflag:s1] =	ssyncadd.s32 $0xFFFFB000  }
0xdb: {  	_ =	swait.ge [sflag:s31], $0x1400  }
0xdc: {  	[sflag:s31] =	ssyncset.done $0x0  }
0xdd: {  	[sflag:s31] =	ssyncadd.s32 $0xFFFFEC00  }
0xde: {  	_ =	swait.ge [sflag:s0], $0x1400  }
0xdf: {  	[sflag:s0] =	ssyncset.done $0x0  }
0xe0: {  	s21 =	simm.s32 $0xFFFFEC00;
	[sflag:s0] =	ssyncadd.s32 $0xFFFFEC00  }
0xe1: {  	v1 =	vld [tilespmem:s21+$0x6400]  }
0xe2: {  	v2 =	vld [tilespmem:s21+$0x7800];
	_ =	sdelay $0x4  }
0xe3: {  	v1 =	vadd.f32 v2, v1;
	_ =	sdelay $0x1  }
0xe4: {  	v1 =	vadd.f32 $1.000000000e+00, v1;
	_ =	sdelay $0x1  }
0xe5: {  	v2 =	vshra.s32 v1, $0x1;
	v1 =	vmul.f32 $5.000000000e-01, v1  }
0xe6: {  	v2 =	vsub.s32 $0x5F3759DF, v2  }
0xe7: {  	v3 =	vmul.f32 v2, v1;
	_ =	sdelay $0x1  }
0xe8: {  	v3 =	vmul.f32 v2, v3;
	_ =	sdelay $0x1  }
0xe9: {  	v3 =	vsub.f32 $1.500000000e+00, v3;
	_ =	sdelay $0x1  }
0xea: {  	v2 =	vmul.f32 v2, v3;
	_ =	sdelay $0x1  }
0xeb: {  	v3 =	vmul.f32 v2, v1;
	_ =	sdelay $0x1  }
0xec: {  	v3 =	vmul.f32 v3, v2;
	_ =	sdelay $0x1  }
0xed: {  	v3 =	vsub.f32 $1.500000000e+00, v3;
	_ =	sdelay $0x1  }
0xee: {  	v2 =	vmul.f32 v3, v2;
	_ =	sdelay $0x1  }
0xef: {  	v1 =	vmul.f32 v2, v1;
	_ =	sdelay $0x1  }
0xf0: {  	s18 =	simm.s32 $0x7840;
	v1 =	vmul.f32 v1, v2  }
0xf1: {  	v3 =	vld [tilespmem:s18+$0xFFFFFFF0]  }
0xf2: {  	v4 =	vld [tilespmem:s18+$0xFFFFFFC0];
	v1 =	vsub.f32 $1.500000000e+00, v1  }
0xf3: {  	v5 =	vld [tilespmem:s18+$0xFFFFFFD0]  }
0xf4: {  	v6 =	vld [tilespmem:s18+$0xFFFFFFE0];
	v1 =	vmul.f32 v1, v2;
	_ =	sdelay $0x1  }
0xf5: {  	v2 =	vmul.f32 v1, v3  }
0xf6: {  	v3 =	vmul.f32 v1, v4  }
0xf7: {  	v4 =	vmul.f32 v1, v5;
	[tilespmem:s18+$0xFFFFFFF0] =	vst v2  }
0xf8: {  	v1 =	vmul.f32 v1, v6;
	[tilespmem:s18+$0xFFFFFFC0] =	vst v3  }
0xf9: {  	[tilespmem:s18+$0xFFFFFFD0] =	vst v4  }
0xfa: {  	[tilespmem:s18+$0xFFFFFFE0] =	vst v1  }
0xfb: {  	v1 =	vld [tilespmem:s21+$0x6410]  }
0xfc: {  	v2 =	vld [tilespmem:s21+$0x7810];
	_ =	sdelay $0x4  }
0xfd: {  	v1 =	vadd.f32 v2, v1;
	_ =	sdelay $0x1  }
0xfe: {  	v1 =	vadd.f32 $1.000000000e+00, v1;
	_ =	sdelay $0x1  }
0xff: {  	v2 =	vshra.s32 v1, $0x1;
	v3 =	vmul.f32 $5.000000000e-01, v1  }
0x100: {  	v1 =	vsub.s32 $0x5F3759DF, v2  }
0x101: {  	v2 =	vmul.f32 v1, v3;
	_ =	sdelay $0x1  }
0x102: {  	v2 =	vmul.f32 v1, v2;
	_ =	sdelay $0x1  }
0x103: {  	v2 =	vsub.f32 $1.500000000e+00, v2;
	_ =	sdelay $0x1  }
0x104: {  	v1 =	vmul.f32 v1, v2;
	_ =	sdelay $0x1  }
0x105: {  	v2 =	vmul.f32 v1, v3;
	_ =	sdelay $0x1  }
0x106: {  	v2 =	vmul.f32 v2, v1;
	_ =	sdelay $0x1  }
0x107: {  	v2 =	vsub.f32 $1.500000000e+00, v2;
	_ =	sdelay $0x1  }
0x108: {  	v1 =	vmul.f32 v2, v1;
	_ =	sdelay $0x1  }
0x109: {  	v2 =	vmul.f32 v1, v3  }
0x10a: {  	v4 =	vld [tilespmem:s18+$0x10]  }
0x10b: {  	v3 =	vld [tilespmem:s18+$0x0];
	v5 =	vmul.f32 v2, v1  }
0x10c: {  	v2 =	vld [tilespmem:s18+$0x30]  }
0x10d: {  	s29 =	simm.s32 $0x7840;
	s20 =	simm.s32 $0xFFFFB080;
	v6 =	vsub.f32 $1.500000000e+00, v5;
	v5 =	vld [tilespmem:s18+$0x20]  }
.LBB2_6:
0x10e: {  	p2 =	sne.s32 s20, $0xFFFFFF80  }
0x10f: {  	s18 =	sadd.s32 $0x80, s18;
	s21 =	smov.u32 s20;
	s20 =	sadd.s32 $0x80, s20  }
0x110: {  	v1 =	vmul.f32 v6, v1;
	_ =	sdelay $0x1  }
0x111: {  	v3 =	vmul.f32 v1, v3;
	v4 =	vmul.f32 v1, v4  }
0x112: {  	v5 =	vmul.f32 v1, v5;
	v1 =	vmul.f32 v1, v2  }
0x113: {  	[tilespmem:s29+$0x0] =	vst v3  }
0x114: {  	[tilespmem:s29+$0x10] =	vst v4  }
0x115: {  	[tilespmem:s29+$0x30] =	vst v1  }
0x116: {  	s21 =	sshra.s32 s21, $0x2;
	[tilespmem:s29+$0x20] =	vst v5;
	s29 =	smov.u32 s18  }
0x117: {  	v1 =	vld [tilespmem:s21+$0x6400]  }
0x118: {  	v2 =	vld [tilespmem:s21+$0x7800];
	_ =	sdelay $0x4  }
0x119: {  	v1 =	vadd.f32 v2, v1;
	_ =	sdelay $0x1  }
0x11a: {  	v1 =	vadd.f32 $1.000000000e+00, v1;
	_ =	sdelay $0x1  }
0x11b: {  	v2 =	vshra.s32 v1, $0x1;
	v1 =	vmul.f32 $5.000000000e-01, v1  }
0x11c: {  	v2 =	vsub.s32 $0x5F3759DF, v2  }
0x11d: {  	v3 =	vmul.f32 v2, v1;
	_ =	sdelay $0x1  }
0x11e: {  	v3 =	vmul.f32 v2, v3;
	_ =	sdelay $0x1  }
0x11f: {  	v3 =	vsub.f32 $1.500000000e+00, v3;
	_ =	sdelay $0x1  }
0x120: {  	v2 =	vmul.f32 v2, v3;
	_ =	sdelay $0x1  }
0x121: {  	v3 =	vmul.f32 v2, v1;
	_ =	sdelay $0x1  }
0x122: {  	v3 =	vmul.f32 v3, v2;
	_ =	sdelay $0x1  }
0x123: {  	v3 =	vsub.f32 $1.500000000e+00, v3;
	_ =	sdelay $0x1  }
0x124: {  	v2 =	vmul.f32 v3, v2;
	_ =	sdelay $0x1  }
0x125: {  	v1 =	vmul.f32 v2, v1  }
0x126: {  	v3 =	vld [tilespmem:s18+$0xFFFFFFE0]  }
0x127: {  	v1 =	vmul.f32 v1, v2;
	v4 =	vld [tilespmem:s18+$0xFFFFFFF0]  }
0x128: {  	v5 =	vld [tilespmem:s18+$0xFFFFFFC0]  }
0x129: {  	v1 =	vsub.f32 $1.500000000e+00, v1;
	v6 =	vld [tilespmem:s18+$0xFFFFFFD0];
	_ =	sdelay $0x1  }
0x12a: {  	v1 =	vmul.f32 v1, v2;
	_ =	sdelay $0x1  }
0x12b: {  	v2 =	vmul.f32 v1, v5;
	v4 =	vmul.f32 v1, v4  }
0x12c: {  	v5 =	vmul.f32 v1, v6;
	v1 =	vmul.f32 v1, v3  }
0x12d: {  	[tilespmem:s18+$0xFFFFFFF0] =	vst v4  }
0x12e: {  	[tilespmem:s18+$0xFFFFFFC0] =	vst v2  }
0x12f: {  	[tilespmem:s18+$0xFFFFFFD0] =	vst v5  }
0x130: {  	[tilespmem:s18+$0xFFFFFFE0] =	vst v1  }
0x131: {  	v1 =	vld [tilespmem:s21+$0x6410]  }
0x132: {  	v2 =	vld [tilespmem:s21+$0x7810];
	_ =	sdelay $0x4  }
0x133: {  	v1 =	vadd.f32 v2, v1;
	_ =	sdelay $0x1  }
0x134: {  	v1 =	vadd.f32 $1.000000000e+00, v1;
	_ =	sdelay $0x1  }
0x135: {  	v2 =	vshra.s32 v1, $0x1;
	v3 =	vmul.f32 $5.000000000e-01, v1  }
0x136: {  	v1 =	vsub.s32 $0x5F3759DF, v2  }
0x137: {  	v2 =	vmul.f32 v1, v3;
	_ =	sdelay $0x1  }
0x138: {  	v2 =	vmul.f32 v1, v2;
	_ =	sdelay $0x1  }
0x139: {  	v2 =	vsub.f32 $1.500000000e+00, v2;
	_ =	sdelay $0x1  }
0x13a: {  	v1 =	vmul.f32 v1, v2;
	_ =	sdelay $0x1  }
0x13b: {  	v2 =	vmul.f32 v1, v3;
	_ =	sdelay $0x1  }
0x13c: {  	v2 =	vmul.f32 v2, v1;
	_ =	sdelay $0x1  }
0x13d: {  	v2 =	vsub.f32 $1.500000000e+00, v2;
	_ =	sdelay $0x1  }
0x13e: {  	v1 =	vmul.f32 v2, v1;
	_ =	sdelay $0x1  }
.Ltmp2:
0x13f: {  	v2 =	vmul.f32 v1, v3;
	(pc) =	sbr.rel @p2 .LBB2_6-.Ltmp2, $4  }
0x140: {  	v3 =	vld [tilespmem:s18+$0x0]  }
0x141: {  	v5 =	vmul.f32 v2, v1;
	v2 =	vld [tilespmem:s18+$0x30]  }
0x142: {  	v4 =	vld [tilespmem:s18+$0x10]  }
0x143: {  	v6 =	vsub.f32 $1.500000000e+00, v5;
	v5 =	vld [tilespmem:s18+$0x20]  }
0x144: {  	_ = 	snop  }
0x145: {  	v1 =	vmul.f32 v6, v1;
	_ =	sdelay $0x1  }
0x146: {  	v3 =	vmul.f32 v1, v3  }
0x147: {  	v4 =	vmul.f32 v1, v4  }
0x148: {  	v2 =	vmul.f32 v1, v2;
	[tilespmem:s29+$0x0] =	vst v3  }
0x149: {  	v1 =	vmul.f32 v1, v5;
	[tilespmem:s29+$0x10] =	vst v4  }
0x14a: {  	[tilespmem:s29+$0x30] =	vst v2  }
0x14b: {  	s18 =	rddreg [dreg:$0xc];
	[tilespmem:s29+$0x20] =	vst v1  }
0x14c: {  	[hbm4b:s18+s3] =	stream.linear.scatter [tilespmem:s26], [sflag:$0x8], $0x5000, $0x38;
	[tilespmem:$0x1E500] =	vst v63  }
0x14d: {  	_ =	swait.ge [sflag:s30], $0x5000  }
0x14e: {  	[sflag:s30] =	ssyncset.done $0x0  }
0x14f: {  	s18 =	simm.s32 @!p1 $0x7800;
	[sflag:s30] =	ssyncadd.s32 $0xFFFFB000  }
0x150: {  	[spmem:s16] =	stream.linear.scatter @!p1 [tilespmem:s18], [sflag:$0x8], $0x5000, $0x38;
	[tilespmem:$0x1E500] =	vst v63  }
0x151: {  	s18 =	simm.s32 @!p1 $0x8  }
0x152: {  	_ =	swait.ge @!p1 [sflag:s18], $0x5000  }
0x153: {  	[sflag:s18] =	ssyncset.done @!p1 $0x0  }
0x154: {  	[sflag:s18] =	ssyncadd.s32 @!p1 $0xFFFFB000  }
0x155: {  	s21 =	simm.s32 $0x0;
	[bflag:$0x0] =	sbarrier.arrive $0xFFFF  }
0x156: {  	[tilespmem:s7], [sflag:$0x1] =	stream.indirect.gather [hbm4b:s4+s6], $0x40, s21, s6, $0xb8;
	[tilespmem:$0x1E500] =	vst v63  }
0x157: {  	s29 =	simm.s32 $0x80  }
0x158: {  	[tilespmem:s8], [sflag:$0x2] =	stream.indirect.gather [hbm4b:s4+s6], $0x40, s29, s6, $0xb8;
	[tilespmem:$0x1E500] =	vst v63  }
0x159: {  	s20 =	simm.s32 $0x100  }
0x15a: {  	[tilespmem:s9], [sflag:$0x3] =	stream.indirect.gather [hbm4b:s4+s6], $0x40, s20, s6, $0xb8;
	[tilespmem:$0x1E500] =	vst v63  }
0x15b: {  	s21 =	simm.s32 $0x180  }
0x15c: {  	[tilespmem:s10], [sflag:$0x4] =	stream.indirect.gather [hbm4b:s4+s6], $0x40, s21, s6, $0xb8;
	[tilespmem:$0x1E500] =	vst v63  }
0x15d: {  	_ =	swait.ge [sflag:s13], $0x1F40  }
0x15e: {  	[sflag:s13] =	ssyncset.done $0x0  }
0x15f: {  	s29 =	simm.s32 $0x2800;
	[sflag:s13] =	ssyncadd.s32 $0xFFFFE0C0  }
0x160: {  	[spmem:s2] =	stream.indirect.scatter.add.f32 [tilespmem:s7], [sflag:$0x8], $0x40, s29, s6, $0xb8;
	[tilespmem:$0x1E500] =	vst v63  }
0x161: {  	_ =	swait.ge [sflag:s30], $0x1F40  }
0x162: {  	[sflag:s30] =	ssyncset.done $0x0  }
0x163: {  	s20 =	simm.s32 $0x200;
	[sflag:s30] =	ssyncadd.s32 $0xFFFFE0C0  }
0x164: {  	[tilespmem:s7], [sflag:$0x1] =	stream.indirect.gather [hbm4b:s4+s6], $0x40, s20, s6, $0xb8;
	[tilespmem:$0x1E500] =	vst v63  }
0x165: {  	_ =	swait.ge [sflag:s14], $0x1F40  }
0x166: {  	[sflag:s14] =	ssyncset.done $0x0  }
0x167: {  	s21 =	simm.s32 $0x2880;
	[sflag:s14] =	ssyncadd.s32 $0xFFFFE0C0  }
0x168: {  	[spmem:s2] =	stream.indirect.scatter.add.f32 [tilespmem:s8], [sflag:$0x8], $0x40, s21, s6, $0xb8;
	[tilespmem:$0x1E500] =	vst v63  }
0x169: {  	_ =	swait.ge [sflag:s30], $0x1F40  }
0x16a: {  	[sflag:s30] =	ssyncset.done $0x0  }
0x16b: {  	s29 =	simm.s32 $0x280;
	[sflag:s30] =	ssyncadd.s32 $0xFFFFE0C0  }
0x16c: {  	[tilespmem:s8], [sflag:$0x2] =	stream.indirect.gather [hbm4b:s4+s6], $0x40, s29, s6, $0xb8;
	[tilespmem:$0x1E500] =	vst v63  }
0x16d: {  	_ =	swait.ge [sflag:s15], $0x1F40  }
0x16e: {  	[sflag:s15] =	ssyncset.done $0x0  }
0x16f: {  	s20 =	simm.s32 $0x2900;
	[sflag:s15] =	ssyncadd.s32 $0xFFFFE0C0  }
0x170: {  	[spmem:s2] =	stream.indirect.scatter.add.f32 [tilespmem:s9], [sflag:$0x8], $0x40, s20, s6, $0xb8;
	[tilespmem:$0x1E500] =	vst v63  }
0x171: {  	_ =	swait.ge [sflag:s30], $0x1F40  }
0x172: {  	[sflag:s30] =	ssyncset.done $0x0  }
0x173: {  	s21 =	simm.s32 $0x300;
	[sflag:s30] =	ssyncadd.s32 $0xFFFFE0C0  }
0x174: {  	[tilespmem:s9], [sflag:$0x3] =	stream.indirect.gather [hbm4b:s4+s6], $0x40, s21, s6, $0xb8;
	[tilespmem:$0x1E500] =	vst v63  }
0x175: {  	_ =	swait.ge [sflag:s17], $0x1F40  }
0x176: {  	[sflag:s17] =	ssyncset.done $0x0  }
0x177: {  	s29 =	simm.s32 $0x2980;
	[sflag:s17] =	ssyncadd.s32 $0xFFFFE0C0  }
0x178: {  	[spmem:s2] =	stream.indirect.scatter.add.f32 [tilespmem:s10], [sflag:$0x8], $0x40, s29, s6, $0xb8;
	[tilespmem:$0x1E500] =	vst v63  }
0x179: {  	_ =	swait.ge [sflag:s30], $0x1F40  }
0x17a: {  	[sflag:s30] =	ssyncset.done $0x0  }
0x17b: {  	s18 =	simm.s32 $0x800;
	s20 =	simm.s32 $0x380;
	[sflag:s30] =	ssyncadd.s32 $0xFFFFE0C0  }
.LBB2_8:
0x17c: {  	[tilespmem:s10], [sflag:$0x4] =	stream.indirect.gather [hbm4b:s4+s6], $0x40, s20, s6, $0xb8;
	[tilespmem:$0x1E500] =	vst v63  }
0x17d: {  	s20 =	smov.u32 s18  }
0x17e: {  	p2 =	sne.s32 s18, $0x9000;
	s18 =	sadd.s32 $0x800, s18;
	_ =	swait.ge [sflag:s13], $0x1F40  }
0x17f: {  	s20 =	sshra.s32 s20, $0x2;
	[sflag:s13] =	ssyncset.done $0x0  }
0x180: {  	s21 =	sadd.s32 $0x2800, s20;
	[sflag:s13] =	ssyncadd.s32 $0xFFFFE0C0  }
0x181: {  	[spmem:s2] =	stream.indirect.scatter.add.f32 [tilespmem:s7], [sflag:$0x8], $0x40, s21, s6, $0xb8;
	[tilespmem:$0x1E500] =	vst v63  }
0x182: {  	_ =	swait.ge [sflag:s30], $0x1F40  }
0x183: {  	[sflag:s30] =	ssyncset.done $0x0  }
0x184: {  	s21 =	sadd.s32 $0x200, s20;
	[sflag:s30] =	ssyncadd.s32 $0xFFFFE0C0  }
0x185: {  	[tilespmem:s7], [sflag:$0x1] =	stream.indirect.gather [hbm4b:s4+s6], $0x40, s21, s6, $0xb8;
	[tilespmem:$0x1E500] =	vst v63  }
0x186: {  	_ =	swait.ge [sflag:s14], $0x1F40  }
0x187: {  	[sflag:s14] =	ssyncset.done $0x0  }
0x188: {  	s21 =	sadd.s32 $0x2880, s20;
	[sflag:s14] =	ssyncadd.s32 $0xFFFFE0C0  }
0x189: {  	[spmem:s2] =	stream.indirect.scatter.add.f32 [tilespmem:s8], [sflag:$0x8], $0x40, s21, s6, $0xb8;
	[tilespmem:$0x1E500] =	vst v63  }
0x18a: {  	_ =	swait.ge [sflag:s30], $0x1F40  }
0x18b: {  	[sflag:s30] =	ssyncset.done $0x0  }
0x18c: {  	s21 =	sadd.s32 $0x280, s20;
	[sflag:s30] =	ssyncadd.s32 $0xFFFFE0C0  }
0x18d: {  	[tilespmem:s8], [sflag:$0x2] =	stream.indirect.gather [hbm4b:s4+s6], $0x40, s21, s6, $0xb8;
	[tilespmem:$0x1E500] =	vst v63  }
0x18e: {  	_ =	swait.ge [sflag:s15], $0x1F40  }
0x18f: {  	[sflag:s15] =	ssyncset.done $0x0  }
0x190: {  	s21 =	sadd.s32 $0x2900, s20;
	[sflag:s15] =	ssyncadd.s32 $0xFFFFE0C0  }
0x191: {  	[spmem:s2] =	stream.indirect.scatter.add.f32 [tilespmem:s9], [sflag:$0x8], $0x40, s21, s6, $0xb8;
	[tilespmem:$0x1E500] =	vst v63  }
0x192: {  	_ =	swait.ge [sflag:s30], $0x1F40  }
0x193: {  	[sflag:s30] =	ssyncset.done $0x0  }
0x194: {  	s21 =	sadd.s32 $0x300, s20;
	[sflag:s30] =	ssyncadd.s32 $0xFFFFE0C0  }
0x195: {  	[tilespmem:s9], [sflag:$0x3] =	stream.indirect.gather [hbm4b:s4+s6], $0x40, s21, s6, $0xb8;
	[tilespmem:$0x1E500] =	vst v63  }
0x196: {  	_ =	swait.ge [sflag:s17], $0x1F40  }
0x197: {  	[sflag:s17] =	ssyncset.done $0x0  }
.Ltmp3:
0x198: {  	s21 =	sadd.s32 $0x2980, s20;
	[sflag:s17] =	ssyncadd.s32 $0xFFFFE0C0;
	(pc) =	sbr.rel @p2 .LBB2_8-.Ltmp3, $4  }
0x199: {  	[spmem:s2] =	stream.indirect.scatter.add.f32 [tilespmem:s10], [sflag:$0x8], $0x40, s21, s6, $0xb8;
	[tilespmem:$0x1E500] =	vst v63  }
0x19a: {  	_ =	swait.ge [sflag:s30], $0x1F40  }
0x19b: {  	[sflag:s30] =	ssyncset.done $0x0  }
0x19c: {  	s20 =	sadd.s32 $0x380, s20;
	[sflag:s30] =	ssyncadd.s32 $0xFFFFE0C0  }
0x19d: {  	[tilespmem:s10], [sflag:$0x4] =	stream.indirect.gather [hbm4b:s4+s6], $0x40, s20, s6, $0xb8;
	[tilespmem:$0x1E500] =	vst v63  }
0x19e: {  	_ =	swait.ge [sflag:s13], $0x1F40  }
0x19f: {  	[sflag:s13] =	ssyncset.done $0x0  }
0x1a0: {  	s18 =	simm.s32 $0x4E00;
	[sflag:s13] =	ssyncadd.s32 $0xFFFFE0C0  }
0x1a1: {  	[spmem:s2] =	stream.indirect.scatter.add.f32 [tilespmem:s7], [sflag:$0x8], $0x40, s18, s6, $0xb8;
	[tilespmem:$0x1E500] =	vst v63  }
0x1a2: {  	_ =	swait.ge [sflag:s30], $0x1F40  }
0x1a3: {  	[sflag:s30] =	ssyncset.done $0x0  }
0x1a4: {  	[sflag:s30] =	ssyncadd.s32 $0xFFFFE0C0  }
0x1a5: {  	_ =	swait.ge [sflag:s14], $0x1F40  }
0x1a6: {  	[sflag:s14] =	ssyncset.done $0x0  }
0x1a7: {  	s21 =	simm.s32 $0x4E80;
	[sflag:s14] =	ssyncadd.s32 $0xFFFFE0C0  }
0x1a8: {  	[spmem:s2] =	stream.indirect.scatter.add.f32 [tilespmem:s8], [sflag:$0x8], $0x40, s21, s6, $0xb8;
	[tilespmem:$0x1E500] =	vst v63  }
0x1a9: {  	_ =	swait.ge [sflag:s30], $0x1F40  }
0x1aa: {  	[sflag:s30] =	ssyncset.done $0x0  }
0x1ab: {  	[sflag:s30] =	ssyncadd.s32 $0xFFFFE0C0  }
0x1ac: {  	_ =	swait.ge [sflag:s15], $0x1F40  }
0x1ad: {  	[sflag:s15] =	ssyncset.done $0x0  }
0x1ae: {  	s29 =	simm.s32 $0x4F00;
	[sflag:s15] =	ssyncadd.s32 $0xFFFFE0C0  }
0x1af: {  	[spmem:s2] =	stream.indirect.scatter.add.f32 [tilespmem:s9], [sflag:$0x8], $0x40, s29, s6, $0xb8;
	[tilespmem:$0x1E500] =	vst v63  }
0x1b0: {  	_ =	swait.ge [sflag:s30], $0x1F40  }
0x1b1: {  	[sflag:s30] =	ssyncset.done $0x0  }
0x1b2: {  	[sflag:s30] =	ssyncadd.s32 $0xFFFFE0C0  }
0x1b3: {  	_ =	swait.ge [sflag:s17], $0x1F40  }
0x1b4: {  	[sflag:s17] =	ssyncset.done $0x0  }
0x1b5: {  	s20 =	simm.s32 $0x4F80;
	[sflag:s17] =	ssyncadd.s32 $0xFFFFE0C0  }
0x1b6: {  	[spmem:s2] =	stream.indirect.scatter.add.f32 [tilespmem:s10], [sflag:$0x8], $0x40, s20, s6, $0xb8;
	[tilespmem:$0x1E500] =	vst v63  }
0x1b7: {  	_ =	swait.ge [sflag:s30], $0x1F40  }
0x1b8: {  	[sflag:s30] =	ssyncset.done $0x0  }
0x1b9: {  	s21 =	stileid.u32;
	[sflag:s30] =	ssyncadd.s32 $0xFFFFE0C0  }
0x1ba: {  	s18 =	sshll.u32 s21, $0x6;
	[bflag:$0x0] =	sbarrier.arrive $0xFFFF  }
0x1bb: {  	s18 =	sor.u32 $0x1C08, s18;
	s29 =	sshrl.u32 s11, $0x3;
	s21 =	rddreg [dreg:$0xd]  }
0x1bc: {  	[hbm:s21], [sflag:s18] =	dma.local [spmem:s29], $0x1400  }
0x1bd: {  	_ =	swait.ge [sflag:s30], $0x1400  }
0x1be: {  	s28 =	sadd.s32 $0x1, s28;
	s29 =	rddreg [dreg:$0xe]  }
0x1bf: {  	p2 =	sne.s32 s28, s29  }
.Ltmp4:
0x1c0: {  	_ = 	snop;
	(pc) =	sbr.rel @p2 .LBB2_1-.Ltmp4, $3  }
0x1c1: {  	_ =	sdelay $0x1  }
0x1c2: {  	[sflag:s30] =	ssyncset.done $0x0  }
0x1c3: {  	[sflag:s30] =	ssyncadd.s32 $0xFFFFEC00  }
0x1c4: {  	_ =	sfence.sel $0x180000  }
0x1c5: {  	[bflag:$0x0] =	sbarrier.arrive $0xFFFF  }
0x1c6: {  	_ =	strace $0x9000004A  }
0x1c7: {  	s0 =	stileid.u32;
	[bflag:$0x2] =	sbarrier.arrive $0xFFFF  }
0x1c8: {  	p0 =	sne.s32 s0, $0x0;
	s0 =	rddreg [dreg:$0x4]  }
0x1c9: {  	s0 =	sadd.s32 @!p0 $0x100000, s0  }
0x1ca: {  	[sflag:s0] =	ssyncadd.tile.s32 @!p0 $0x1;
	_ =	shalt  }
.Lfunc_end2:
_tile_overlayer_lowered:
.L_overlay_start_2:
0x1cb: {  	(tag) =	ssettag $0x2  }
0x1cc: {  	s0 =	rddreg [dreg:$0x0];
	s2 =	stileid.u32  }
0x1cd: {  	s1 =	rddreg [dreg:$0x1];
	p0 =	sne.s32 s2, $0x0  }
0x1ce: {  	s3 =	rddreg [dreg:$0x2];
	[bflag:$0x3] =	sbarrier.arrive $0xFFFF;
	s2 =	simm.s32 @!p0 $0x1C08  }
0x1cf: {  	[timem:s3], [sflag:s2] =	dma.local @!p0 [hbm:s0], s1  }
0x1d0: {  	s0 =	simm.s32 @!p0 $0x8  }
0x1d1: {  	_ =	swait.ge @!p0 [sflag:s0], s1  }
0x1d2: {  	s1 =	ssub.s32 @!p0 $0x0, s1;
	[sflag:s0] =	ssyncset.done @!p0 $0x0  }
0x1d3: {  	[sflag:s0] =	ssyncadd.s32 @!p0 s1  }
0x1d4: {  	[bflag:$0x3] =	sbarrier.arrive $0xFFFF  }
0x1d5: {  	_ =	shalt  }

</sc_bundles>
